<compile_context>
chip_gen: v7x
topology: tpu7x:2x2x1
jax: 0.10.2.dev20260603
libtpu: 0.0.44.dev20260713+nightly
codegen_flags: <defaults>
</compile_context>

<pallas_src>
import jax
import jax.numpy as jnp
from jax import lax
from jax.experimental import pallas as pl
from jax.experimental.pallas import tpu as pltpu
from jax.experimental.pallas import tpu_sc as plsc

_NC = 2
_NS = 16
_NW = _NC * _NS
_L = 16

_B, _S, _D = 128, 32, 2048
_CB = 8
_NCHUNK = _B // _CB
_NBUF = 7
_LEAD = 6


def _sc_body(x_hbm, t_hbm, o_hbm, trow, bufs, in_sems, out_sems):
    wid = lax.axis_index("s") * _NC + lax.axis_index("c")

    pltpu.sync_copy(t_hbm.at[wid], trow)

    def in_copy(c, j):
        return pltpu.make_async_copy(
            x_hbm.at[pl.ds(c * _CB, _CB), wid], bufs.at[j], in_sems.at[j])

    def out_copy(c, j):
        return pltpu.make_async_copy(
            bufs.at[j], o_hbm.at[pl.ds(c * _CB, _CB), wid], out_sems.at[j])

    for p in range(_LEAD):
        in_copy(p, p).start()

    def body(c, carry):
        j = lax.rem(c, _NBUF)
        in_copy(c, j).wait()

        @plsc.parallel_loop(0, _D, _L)
        def _(col):
            tv = trow[pl.ds(col, _L)]
            for r in range(_CB):
                plsc.addupdate(bufs.at[j, r, pl.ds(col, _L)], tv)

        out_copy(c, j).start()

        nxt = c + _LEAD
        jn = lax.rem(nxt, _NBUF)

        @pl.when(nxt < _NCHUNK)
        def _():
            @pl.when(nxt >= _NBUF)
            def _():
                out_copy(nxt - _NBUF, jn).wait()

            in_copy(nxt, jn).start()

        return carry

    lax.fori_loop(0, _NCHUNK, body, 0)

    for c in range(_NCHUNK - _NBUF, _NCHUNK):
        out_copy(c, c % _NBUF).wait()


@jax.jit
def _sc_add(x, pos_table):
    mesh = plsc.VectorSubcoreMesh(core_axis_name="c", subcore_axis_name="s")
    body = lambda x_hbm, t_hbm, o_hbm, trow, bufs, in_sems, out_sems: (
        _sc_body(x_hbm, t_hbm, o_hbm, trow, bufs, in_sems, out_sems))
    return pl.kernel(
        body,
        out_type=jax.ShapeDtypeStruct((_B, _S, _D), jnp.float32),
        mesh=mesh,
        scratch_types=[
            pltpu.VMEM((_D,), jnp.float32),
            pltpu.VMEM((_NBUF, _CB, _D), jnp.float32),
            pltpu.SemaphoreType.DMA((_NBUF,)),
            pltpu.SemaphoreType.DMA((_NBUF,)),
        ],
    )(x, pos_table)


def kernel(x, pos_table):
    return _sc_add(x, pos_table)

# --- scband reference (transcript-rebuilt; emitter-appended) ---
"""Pipeline reference for scband-positional-embedding-8804682956917 (READ-ONLY COPY).

The authoritative reference and input builder live on the scoring server;
editing this copy changes nothing except your own understanding.
"""

import jax, jax.numpy as jnp
import numpy as np

def setup_inputs(seed: int = 0) -> dict:
    key = jax.random.key(seed)
    k1, k2 = jax.random.split(key)
    x = jax.random.normal(k1, (128, 32, 2048), dtype=jnp.float32)
    pos_table = jax.random.normal(k2, (32, 2048), dtype=jnp.float32) * 0.02
    return {"x": x, "pos_table": pos_table}

def reference(x, pos_table):
    B, seq_len, d = x.shape
    pos = jnp.arange(seq_len)
    pos = jnp.broadcast_to(pos[None, :], (B, seq_len))
    pos_embed = jnp.take(pos_table, pos, axis=0)
    return x + pos_embed

if __name__ == "__main__":
    import jax
    _d = setup_inputs()
    print(jax.jit(kernel)(*tuple(_d.values())))

</pallas_src>

<mosaic_0001>
#map = affine_map<(d0, d1) -> (0, 0, 0)>
#map1 = affine_map<(d0, d1) -> (0, 0)>
module attributes {stable_mosaic.version = 14 : i64} {
  func.func @_lambda_(%arg0: i32, %arg1: i32, %arg2: memref<128x32x2048xf32, #tpu.memory_space<hbm>>, %arg3: memref<32x2048xf32, #tpu.memory_space<hbm>>, %arg4: memref<128x32x2048xf32, #tpu.memory_space<hbm>>, %arg5: memref<2048xf32, #tpu.memory_space<vmem>>, %arg6: memref<7x8x2048xf32, #tpu.memory_space<vmem>>, %arg7: memref<7x!tpu.dma_semaphore, #tpu.memory_space<semaphore_mem>>, %arg8: memref<7x!tpu.dma_semaphore, #tpu.memory_space<semaphore_mem>>) attributes {dimension_semantics = [#tpu.dimension_semantics<core_parallel>, #tpu.dimension_semantics<subcore_parallel>], iteration_bounds = array<i64: 2, 16>, scalar_prefetch = 0 : i64, scratch_operands = 4 : i64, tpu.core_type = #tpu.core_type<sc_vector_subcore>, window_params = [{transform_indices = #map}, {transform_indices = #map1}, {transform_indices = #map}]} {
    %mul3A = arith.constant 2 : i32
    %mul3A_0 = arith.muli %arg1, %mul3A : i32
    %add3A = arith.addi %mul3A_0, %arg0 : i32
    "tpu.region"() ({
      %run_scoped3A = tpu.sem_alloc : memref<!tpu.dma_semaphore, #tpu.memory_space<semaphore_mem>>
      %dma_start3A_264 = arith.constant 0 : i32
      %dma_start3A_265 = tpu.memref_slice %arg3[%add3A, %dma_start3A_264] : memref<32x2048xf32, #tpu.memory_space<hbm>> -> memref<1x2048xf32, #tpu.memory_space<hbm>>
      %dma_start3A_266 = tpu.memref_squeeze %dma_start3A_265 : memref<1x2048xf32, #tpu.memory_space<hbm>> -> memref<2048xf32, #tpu.memory_space<hbm>>
      %dma_start3A_267 = arith.constant 0 : i32
      %dma_start3A_268 = tpu.memref_slice %arg3[%add3A, %dma_start3A_267] : memref<32x2048xf32, #tpu.memory_space<hbm>> -> memref<1x2048xf32, #tpu.memory_space<hbm>>
      %dma_start3A_269 = tpu.memref_squeeze %dma_start3A_268 : memref<1x2048xf32, #tpu.memory_space<hbm>> -> memref<2048xf32, #tpu.memory_space<hbm>>
      tpu.enqueue_dma source(%dma_start3A_269 : memref<2048xf32, #tpu.memory_space<hbm>>) target(%arg5 : memref<2048xf32, #tpu.memory_space<vmem>>) target_semaphore(%run_scoped3A : memref<!tpu.dma_semaphore, #tpu.memory_space<semaphore_mem>>)
      %dma_wait3A_270 = arith.constant 0 : i32
      %dma_wait3A_271 = tpu.memref_slice %arg3[%add3A, %dma_wait3A_270] : memref<32x2048xf32, #tpu.memory_space<hbm>> -> memref<1x2048xf32, #tpu.memory_space<hbm>>
      %dma_wait3A_272 = tpu.memref_squeeze %dma_wait3A_271 : memref<1x2048xf32, #tpu.memory_space<hbm>> -> memref<2048xf32, #tpu.memory_space<hbm>>
      %dma_wait3A_273 = arith.constant 0 : i32
      %dma_wait3A_274 = tpu.memref_slice %arg3[%add3A, %dma_wait3A_273] : memref<32x2048xf32, #tpu.memory_space<hbm>> -> memref<1x2048xf32, #tpu.memory_space<hbm>>
      %dma_wait3A_275 = tpu.memref_squeeze %dma_wait3A_274 : memref<1x2048xf32, #tpu.memory_space<hbm>> -> memref<2048xf32, #tpu.memory_space<hbm>>
      tpu.wait_dma2 semaphore(%run_scoped3A : memref<!tpu.dma_semaphore, #tpu.memory_space<semaphore_mem>>) src(%dma_wait3A_275 : memref<2048xf32, #tpu.memory_space<hbm>>) dst(%arg5 : memref<2048xf32, #tpu.memory_space<vmem>>)
      tpu.yield
    }) : () -> ()
    %dma_start3A = arith.constant 0 : i32
    %dma_start3A_1 = arith.constant 0 : i32
    %dma_start3A_2 = arith.constant 0 : i32
    %dma_start3A_3 = arith.constant 0 : i32
    %dma_start3A_4 = tpu.memref_slice %arg6[%dma_start3A, %dma_start3A_2, %dma_start3A_3] : memref<7x8x2048xf32, #tpu.memory_space<vmem>> -> memref<1x8x2048xf32, #tpu.memory_space<vmem>>
    %dma_start3A_5 = tpu.memref_squeeze %dma_start3A_4 : memref<1x8x2048xf32, #tpu.memory_space<vmem>> -> memref<8x2048xf32, #tpu.memory_space<vmem>>
    %dma_start3A_6 = arith.constant 0 : i32
    %dma_start3A_7 = arith.constant 0 : i32
    %dma_start3A_8 = tpu.memref_slice %arg2[%dma_start3A_6, %add3A, %dma_start3A_7] : memref<128x32x2048xf32, #tpu.memory_space<hbm>> -> memref<8x1x2048xf32, #tpu.memory_space<hbm>>
    %dma_start3A_9 = tpu.memref_squeeze %dma_start3A_8 : memref<8x1x2048xf32, #tpu.memory_space<hbm>> -> memref<8x2048xf32, #tpu.memory_space<hbm>>
    %dma_start3A_10 = tpu.memref_slice %arg7[%dma_start3A_1] : memref<7x!tpu.dma_semaphore, #tpu.memory_space<semaphore_mem>> -> memref<1x!tpu.dma_semaphore, #tpu.memory_space<semaphore_mem>>
    %dma_start3A_11 = tpu.memref_squeeze %dma_start3A_10 : memref<1x!tpu.dma_semaphore, #tpu.memory_space<semaphore_mem>> -> memref<!tpu.dma_semaphore, #tpu.memory_space<semaphore_mem>>
    %dma_start3A_12 = arith.constant 0 : i32
    %dma_start3A_13 = arith.constant 0 : i32
    %dma_start3A_14 = tpu.memref_slice %arg6[%dma_start3A, %dma_start3A_12, %dma_start3A_13] : memref<7x8x2048xf32, #tpu.memory_space<vmem>> -> memref<1x8x2048xf32, #tpu.memory_space<vmem>>
    %dma_start3A_15 = tpu.memref_squeeze %dma_start3A_14 : memref<1x8x2048xf32, #tpu.memory_space<vmem>> -> memref<8x2048xf32, #tpu.memory_space<vmem>>
    %dma_start3A_16 = arith.constant 0 : i32
    %dma_start3A_17 = arith.constant 0 : i32
    %dma_start3A_18 = tpu.memref_slice %arg2[%dma_start3A_16, %add3A, %dma_start3A_17] : memref<128x32x2048xf32, #tpu.memory_space<hbm>> -> memref<8x1x2048xf32, #tpu.memory_space<hbm>>
    %dma_start3A_19 = tpu.memref_squeeze %dma_start3A_18 : memref<8x1x2048xf32, #tpu.memory_space<hbm>> -> memref<8x2048xf32, #tpu.memory_space<hbm>>
    tpu.enqueue_dma source(%dma_start3A_19 : memref<8x2048xf32, #tpu.memory_space<hbm>>) target(%dma_start3A_15 : memref<8x2048xf32, #tpu.memory_space<vmem>>) target_semaphore(%dma_start3A_11 : memref<!tpu.dma_semaphore, #tpu.memory_space<semaphore_mem>>)
    %dma_start3A_20 = arith.constant 1 : i32
    %dma_start3A_21 = arith.constant 1 : i32
    %dma_start3A_22 = arith.constant 0 : i32
    %dma_start3A_23 = arith.constant 0 : i32
    %dma_start3A_24 = tpu.memref_slice %arg6[%dma_start3A_20, %dma_start3A_22, %dma_start3A_23] : memref<7x8x2048xf32, #tpu.memory_space<vmem>> -> memref<1x8x2048xf32, #tpu.memory_space<vmem>>
    %dma_start3A_25 = tpu.memref_squeeze %dma_start3A_24 : memref<1x8x2048xf32, #tpu.memory_space<vmem>> -> memref<8x2048xf32, #tpu.memory_space<vmem>>
    %dma_start3A_26 = arith.constant 8 : i32
    %dma_start3A_27 = arith.constant 0 : i32
    %dma_start3A_28 = tpu.memref_slice %arg2[%dma_start3A_26, %add3A, %dma_start3A_27] : memref<128x32x2048xf32, #tpu.memory_space<hbm>> -> memref<8x1x2048xf32, #tpu.memory_space<hbm>>
    %dma_start3A_29 = tpu.memref_squeeze %dma_start3A_28 : memref<8x1x2048xf32, #tpu.memory_space<hbm>> -> memref<8x2048xf32, #tpu.memory_space<hbm>>
    %dma_start3A_30 = tpu.memref_slice %arg7[%dma_start3A_21] : memref<7x!tpu.dma_semaphore, #tpu.memory_space<semaphore_mem>> -> memref<1x!tpu.dma_semaphore, #tpu.memory_space<semaphore_mem>>
    %dma_start3A_31 = tpu.memref_squeeze %dma_start3A_30 : memref<1x!tpu.dma_semaphore, #tpu.memory_space<semaphore_mem>> -> memref<!tpu.dma_semaphore, #tpu.memory_space<semaphore_mem>>
    %dma_start3A_32 = arith.constant 0 : i32
    %dma_start3A_33 = arith.constant 0 : i32
    %dma_start3A_34 = tpu.memref_slice %arg6[%dma_start3A_20, %dma_start3A_32, %dma_start3A_33] : memref<7x8x2048xf32, #tpu.memory_space<vmem>> -> memref<1x8x2048xf32, #tpu.memory_space<vmem>>
    %dma_start3A_35 = tpu.memref_squeeze %dma_start3A_34 : memref<1x8x2048xf32, #tpu.memory_space<vmem>> -> memref<8x2048xf32, #tpu.memory_space<vmem>>
    %dma_start3A_36 = arith.constant 8 : i32
    %dma_start3A_37 = arith.constant 0 : i32
    %dma_start3A_38 = tpu.memref_slice %arg2[%dma_start3A_36, %add3A, %dma_start3A_37] : memref<128x32x2048xf32, #tpu.memory_space<hbm>> -> memref<8x1x2048xf32, #tpu.memory_space<hbm>>
    %dma_start3A_39 = tpu.memref_squeeze %dma_start3A_38 : memref<8x1x2048xf32, #tpu.memory_space<hbm>> -> memref<8x2048xf32, #tpu.memory_space<hbm>>
    tpu.enqueue_dma source(%dma_start3A_39 : memref<8x2048xf32, #tpu.memory_space<hbm>>) target(%dma_start3A_35 : memref<8x2048xf32, #tpu.memory_space<vmem>>) target_semaphore(%dma_start3A_31 : memref<!tpu.dma_semaphore, #tpu.memory_space<semaphore_mem>>)
    %dma_start3A_40 = arith.constant 2 : i32
    %dma_start3A_41 = arith.constant 2 : i32
    %dma_start3A_42 = arith.constant 0 : i32
    %dma_start3A_43 = arith.constant 0 : i32
    %dma_start3A_44 = tpu.memref_slice %arg6[%dma_start3A_40, %dma_start3A_42, %dma_start3A_43] : memref<7x8x2048xf32, #tpu.memory_space<vmem>> -> memref<1x8x2048xf32, #tpu.memory_space<vmem>>
    %dma_start3A_45 = tpu.memref_squeeze %dma_start3A_44 : memref<1x8x2048xf32, #tpu.memory_space<vmem>> -> memref<8x2048xf32, #tpu.memory_space<vmem>>
    %dma_start3A_46 = arith.constant 16 : i32
    %dma_start3A_47 = arith.constant 0 : i32
    %dma_start3A_48 = tpu.memref_slice %arg2[%dma_start3A_46, %add3A, %dma_start3A_47] : memref<128x32x2048xf32, #tpu.memory_space<hbm>> -> memref<8x1x2048xf32, #tpu.memory_space<hbm>>
    %dma_start3A_49 = tpu.memref_squeeze %dma_start3A_48 : memref<8x1x2048xf32, #tpu.memory_space<hbm>> -> memref<8x2048xf32, #tpu.memory_space<hbm>>
    %dma_start3A_50 = tpu.memref_slice %arg7[%dma_start3A_41] : memref<7x!tpu.dma_semaphore, #tpu.memory_space<semaphore_mem>> -> memref<1x!tpu.dma_semaphore, #tpu.memory_space<semaphore_mem>>
    %dma_start3A_51 = tpu.memref_squeeze %dma_start3A_50 : memref<1x!tpu.dma_semaphore, #tpu.memory_space<semaphore_mem>> -> memref<!tpu.dma_semaphore, #tpu.memory_space<semaphore_mem>>
    %dma_start3A_52 = arith.constant 0 : i32
    %dma_start3A_53 = arith.constant 0 : i32
    %dma_start3A_54 = tpu.memref_slice %arg6[%dma_start3A_40, %dma_start3A_52, %dma_start3A_53] : memref<7x8x2048xf32, #tpu.memory_space<vmem>> -> memref<1x8x2048xf32, #tpu.memory_space<vmem>>
    %dma_start3A_55 = tpu.memref_squeeze %dma_start3A_54 : memref<1x8x2048xf32, #tpu.memory_space<vmem>> -> memref<8x2048xf32, #tpu.memory_space<vmem>>
    %dma_start3A_56 = arith.constant 16 : i32
    %dma_start3A_57 = arith.constant 0 : i32
    %dma_start3A_58 = tpu.memref_slice %arg2[%dma_start3A_56, %add3A, %dma_start3A_57] : memref<128x32x2048xf32, #tpu.memory_space<hbm>> -> memref<8x1x2048xf32, #tpu.memory_space<hbm>>
    %dma_start3A_59 = tpu.memref_squeeze %dma_start3A_58 : memref<8x1x2048xf32, #tpu.memory_space<hbm>> -> memref<8x2048xf32, #tpu.memory_space<hbm>>
    tpu.enqueue_dma source(%dma_start3A_59 : memref<8x2048xf32, #tpu.memory_space<hbm>>) target(%dma_start3A_55 : memref<8x2048xf32, #tpu.memory_space<vmem>>) target_semaphore(%dma_start3A_51 : memref<!tpu.dma_semaphore, #tpu.memory_space<semaphore_mem>>)
    %dma_start3A_60 = arith.constant 3 : i32
    %dma_start3A_61 = arith.constant 3 : i32
    %dma_start3A_62 = arith.constant 0 : i32
    %dma_start3A_63 = arith.constant 0 : i32
    %dma_start3A_64 = tpu.memref_slice %arg6[%dma_start3A_60, %dma_start3A_62, %dma_start3A_63] : memref<7x8x2048xf32, #tpu.memory_space<vmem>> -> memref<1x8x2048xf32, #tpu.memory_space<vmem>>
    %dma_start3A_65 = tpu.memref_squeeze %dma_start3A_64 : memref<1x8x2048xf32, #tpu.memory_space<vmem>> -> memref<8x2048xf32, #tpu.memory_space<vmem>>
    %dma_start3A_66 = arith.constant 24 : i32
    %dma_start3A_67 = arith.constant 0 : i32
    %dma_start3A_68 = tpu.memref_slice %arg2[%dma_start3A_66, %add3A, %dma_start3A_67] : memref<128x32x2048xf32, #tpu.memory_space<hbm>> -> memref<8x1x2048xf32, #tpu.memory_space<hbm>>
    %dma_start3A_69 = tpu.memref_squeeze %dma_start3A_68 : memref<8x1x2048xf32, #tpu.memory_space<hbm>> -> memref<8x2048xf32, #tpu.memory_space<hbm>>
    %dma_start3A_70 = tpu.memref_slice %arg7[%dma_start3A_61] : memref<7x!tpu.dma_semaphore, #tpu.memory_space<semaphore_mem>> -> memref<1x!tpu.dma_semaphore, #tpu.memory_space<semaphore_mem>>
    %dma_start3A_71 = tpu.memref_squeeze %dma_start3A_70 : memref<1x!tpu.dma_semaphore, #tpu.memory_space<semaphore_mem>> -> memref<!tpu.dma_semaphore, #tpu.memory_space<semaphore_mem>>
    %dma_start3A_72 = arith.constant 0 : i32
    %dma_start3A_73 = arith.constant 0 : i32
    %dma_start3A_74 = tpu.memref_slice %arg6[%dma_start3A_60, %dma_start3A_72, %dma_start3A_73] : memref<7x8x2048xf32, #tpu.memory_space<vmem>> -> memref<1x8x2048xf32, #tpu.memory_space<vmem>>
    %dma_start3A_75 = tpu.memref_squeeze %dma_start3A_74 : memref<1x8x2048xf32, #tpu.memory_space<vmem>> -> memref<8x2048xf32, #tpu.memory_space<vmem>>
    %dma_start3A_76 = arith.constant 24 : i32
    %dma_start3A_77 = arith.constant 0 : i32
    %dma_start3A_78 = tpu.memref_slice %arg2[%dma_start3A_76, %add3A, %dma_start3A_77] : memref<128x32x2048xf32, #tpu.memory_space<hbm>> -> memref<8x1x2048xf32, #tpu.memory_space<hbm>>
    %dma_start3A_79 = tpu.memref_squeeze %dma_start3A_78 : memref<8x1x2048xf32, #tpu.memory_space<hbm>> -> memref<8x2048xf32, #tpu.memory_space<hbm>>
    tpu.enqueue_dma source(%dma_start3A_79 : memref<8x2048xf32, #tpu.memory_space<hbm>>) target(%dma_start3A_75 : memref<8x2048xf32, #tpu.memory_space<vmem>>) target_semaphore(%dma_start3A_71 : memref<!tpu.dma_semaphore, #tpu.memory_space<semaphore_mem>>)
    %dma_start3A_80 = arith.constant 4 : i32
    %dma_start3A_81 = arith.constant 4 : i32
    %dma_start3A_82 = arith.constant 0 : i32
    %dma_start3A_83 = arith.constant 0 : i32
    %dma_start3A_84 = tpu.memref_slice %arg6[%dma_start3A_80, %dma_start3A_82, %dma_start3A_83] : memref<7x8x2048xf32, #tpu.memory_space<vmem>> -> memref<1x8x2048xf32, #tpu.memory_space<vmem>>
    %dma_start3A_85 = tpu.memref_squeeze %dma_start3A_84 : memref<1x8x2048xf32, #tpu.memory_space<vmem>> -> memref<8x2048xf32, #tpu.memory_space<vmem>>
    %dma_start3A_86 = arith.constant 32 : i32
    %dma_start3A_87 = arith.constant 0 : i32
    %dma_start3A_88 = tpu.memref_slice %arg2[%dma_start3A_86, %add3A, %dma_start3A_87] : memref<128x32x2048xf32, #tpu.memory_space<hbm>> -> memref<8x1x2048xf32, #tpu.memory_space<hbm>>
    %dma_start3A_89 = tpu.memref_squeeze %dma_start3A_88 : memref<8x1x2048xf32, #tpu.memory_space<hbm>> -> memref<8x2048xf32, #tpu.memory_space<hbm>>
    %dma_start3A_90 = tpu.memref_slice %arg7[%dma_start3A_81] : memref<7x!tpu.dma_semaphore, #tpu.memory_space<semaphore_mem>> -> memref<1x!tpu.dma_semaphore, #tpu.memory_space<semaphore_mem>>
    %dma_start3A_91 = tpu.memref_squeeze %dma_start3A_90 : memref<1x!tpu.dma_semaphore, #tpu.memory_space<semaphore_mem>> -> memref<!tpu.dma_semaphore, #tpu.memory_space<semaphore_mem>>
    %dma_start3A_92 = arith.constant 0 : i32
    %dma_start3A_93 = arith.constant 0 : i32
    %dma_start3A_94 = tpu.memref_slice %arg6[%dma_start3A_80, %dma_start3A_92, %dma_start3A_93] : memref<7x8x2048xf32, #tpu.memory_space<vmem>> -> memref<1x8x2048xf32, #tpu.memory_space<vmem>>
    %dma_start3A_95 = tpu.memref_squeeze %dma_start3A_94 : memref<1x8x2048xf32, #tpu.memory_space<vmem>> -> memref<8x2048xf32, #tpu.memory_space<vmem>>
    %dma_start3A_96 = arith.constant 32 : i32
    %dma_start3A_97 = arith.constant 0 : i32
    %dma_start3A_98 = tpu.memref_slice %arg2[%dma_start3A_96, %add3A, %dma_start3A_97] : memref<128x32x2048xf32, #tpu.memory_space<hbm>> -> memref<8x1x2048xf32, #tpu.memory_space<hbm>>
    %dma_start3A_99 = tpu.memref_squeeze %dma_start3A_98 : memref<8x1x2048xf32, #tpu.memory_space<hbm>> -> memref<8x2048xf32, #tpu.memory_space<hbm>>
    tpu.enqueue_dma source(%dma_start3A_99 : memref<8x2048xf32, #tpu.memory_space<hbm>>) target(%dma_start3A_95 : memref<8x2048xf32, #tpu.memory_space<vmem>>) target_semaphore(%dma_start3A_91 : memref<!tpu.dma_semaphore, #tpu.memory_space<semaphore_mem>>)
    %dma_start3A_100 = arith.constant 5 : i32
    %dma_start3A_101 = arith.constant 5 : i32
    %dma_start3A_102 = arith.constant 0 : i32
    %dma_start3A_103 = arith.constant 0 : i32
    %dma_start3A_104 = tpu.memref_slice %arg6[%dma_start3A_100, %dma_start3A_102, %dma_start3A_103] : memref<7x8x2048xf32, #tpu.memory_space<vmem>> -> memref<1x8x2048xf32, #tpu.memory_space<vmem>>
    %dma_start3A_105 = tpu.memref_squeeze %dma_start3A_104 : memref<1x8x2048xf32, #tpu.memory_space<vmem>> -> memref<8x2048xf32, #tpu.memory_space<vmem>>
    %dma_start3A_106 = arith.constant 40 : i32
    %dma_start3A_107 = arith.constant 0 : i32
    %dma_start3A_108 = tpu.memref_slice %arg2[%dma_start3A_106, %add3A, %dma_start3A_107] : memref<128x32x2048xf32, #tpu.memory_space<hbm>> -> memref<8x1x2048xf32, #tpu.memory_space<hbm>>
    %dma_start3A_109 = tpu.memref_squeeze %dma_start3A_108 : memref<8x1x2048xf32, #tpu.memory_space<hbm>> -> memref<8x2048xf32, #tpu.memory_space<hbm>>
    %dma_start3A_110 = tpu.memref_slice %arg7[%dma_start3A_101] : memref<7x!tpu.dma_semaphore, #tpu.memory_space<semaphore_mem>> -> memref<1x!tpu.dma_semaphore, #tpu.memory_space<semaphore_mem>>
    %dma_start3A_111 = tpu.memref_squeeze %dma_start3A_110 : memref<1x!tpu.dma_semaphore, #tpu.memory_space<semaphore_mem>> -> memref<!tpu.dma_semaphore, #tpu.memory_space<semaphore_mem>>
    %dma_start3A_112 = arith.constant 0 : i32
    %dma_start3A_113 = arith.constant 0 : i32
    %dma_start3A_114 = tpu.memref_slice %arg6[%dma_start3A_100, %dma_start3A_112, %dma_start3A_113] : memref<7x8x2048xf32, #tpu.memory_space<vmem>> -> memref<1x8x2048xf32, #tpu.memory_space<vmem>>
    %dma_start3A_115 = tpu.memref_squeeze %dma_start3A_114 : memref<1x8x2048xf32, #tpu.memory_space<vmem>> -> memref<8x2048xf32, #tpu.memory_space<vmem>>
    %dma_start3A_116 = arith.constant 40 : i32
    %dma_start3A_117 = arith.constant 0 : i32
    %dma_start3A_118 = tpu.memref_slice %arg2[%dma_start3A_116, %add3A, %dma_start3A_117] : memref<128x32x2048xf32, #tpu.memory_space<hbm>> -> memref<8x1x2048xf32, #tpu.memory_space<hbm>>
    %dma_start3A_119 = tpu.memref_squeeze %dma_start3A_118 : memref<8x1x2048xf32, #tpu.memory_space<hbm>> -> memref<8x2048xf32, #tpu.memory_space<hbm>>
    tpu.enqueue_dma source(%dma_start3A_119 : memref<8x2048xf32, #tpu.memory_space<hbm>>) target(%dma_start3A_115 : memref<8x2048xf32, #tpu.memory_space<vmem>>) target_semaphore(%dma_start3A_111 : memref<!tpu.dma_semaphore, #tpu.memory_space<semaphore_mem>>)
    %scan3A = arith.constant 0 : i32
    %scan3A_120 = arith.constant 0 : i32
    %scan3A_121 = arith.constant 16 : i32
    %scan3A_122 = arith.addi %scan3A_120, %scan3A_121 : i32
    %scan3A_123 = arith.constant 1 : i32
    scf.for %scan3A_264 = %scan3A_120 to %scan3A_122 step %scan3A_123  : i32 {
      %rem3A = arith.constant 7 : i32
      %rem3A_265 = arith.remsi %scan3A_264, %rem3A : i32
      %mul3A_266 = arith.constant 8 : i32
      %mul3A_267 = arith.muli %scan3A_264, %mul3A_266 : i32
      %dma_wait3A_268 = arith.constant 0 : i32
      %dma_wait3A_269 = arith.constant 0 : i32
      %dma_wait3A_270 = tpu.memref_slice %arg6[%rem3A_265, %dma_wait3A_268, %dma_wait3A_269] : memref<7x8x2048xf32, #tpu.memory_space<vmem>> -> memref<1x8x2048xf32, #tpu.memory_space<vmem>>
      %dma_wait3A_271 = tpu.memref_squeeze %dma_wait3A_270 : memref<1x8x2048xf32, #tpu.memory_space<vmem>> -> memref<8x2048xf32, #tpu.memory_space<vmem>>
      %dma_wait3A_272 = arith.constant 0 : i32
      %dma_wait3A_273 = tpu.memref_slice %arg2[%mul3A_267, %add3A, %dma_wait3A_272] : memref<128x32x2048xf32, #tpu.memory_space<hbm>> -> memref<8x1x2048xf32, #tpu.memory_space<hbm>>
      %dma_wait3A_274 = tpu.memref_squeeze %dma_wait3A_273 : memref<8x1x2048xf32, #tpu.memory_space<hbm>> -> memref<8x2048xf32, #tpu.memory_space<hbm>>
      %dma_wait3A_275 = tpu.memref_slice %arg7[%rem3A_265] : memref<7x!tpu.dma_semaphore, #tpu.memory_space<semaphore_mem>> -> memref<1x!tpu.dma_semaphore, #tpu.memory_space<semaphore_mem>>
      %dma_wait3A_276 = tpu.memref_squeeze %dma_wait3A_275 : memref<1x!tpu.dma_semaphore, #tpu.memory_space<semaphore_mem>> -> memref<!tpu.dma_semaphore, #tpu.memory_space<semaphore_mem>>
      %dma_wait3A_277 = arith.constant 0 : i32
      %dma_wait3A_278 = arith.constant 0 : i32
      %dma_wait3A_279 = tpu.memref_slice %arg6[%rem3A_265, %dma_wait3A_277, %dma_wait3A_278] : memref<7x8x2048xf32, #tpu.memory_space<vmem>> -> memref<1x8x2048xf32, #tpu.memory_space<vmem>>
      %dma_wait3A_280 = tpu.memref_squeeze %dma_wait3A_279 : memref<1x8x2048xf32, #tpu.memory_space<vmem>> -> memref<8x2048xf32, #tpu.memory_space<vmem>>
      %dma_wait3A_281 = arith.constant 0 : i32
      %dma_wait3A_282 = tpu.memref_slice %arg2[%mul3A_267, %add3A, %dma_wait3A_281] : memref<128x32x2048xf32, #tpu.memory_space<hbm>> -> memref<8x1x2048xf32, #tpu.memory_space<hbm>>
      %dma_wait3A_283 = tpu.memref_squeeze %dma_wait3A_282 : memref<8x1x2048xf32, #tpu.memory_space<hbm>> -> memref<8x2048xf32, #tpu.memory_space<hbm>>
      tpu.wait_dma2 semaphore(%dma_wait3A_276 : memref<!tpu.dma_semaphore, #tpu.memory_space<semaphore_mem>>) src(%dma_wait3A_283 : memref<8x2048xf32, #tpu.memory_space<hbm>>) dst(%dma_wait3A_280 : memref<8x2048xf32, #tpu.memory_space<vmem>>)
      %parallel_loop3A = arith.constant 0 : i32
      %parallel_loop3A_284 = arith.constant 2048 : i32
      %parallel_loop3A_285 = arith.constant 16 : i32
      scf.for %parallel_loop3A_310 = %parallel_loop3A to %parallel_loop3A_284 step %parallel_loop3A_285  : i32 {
        %parallel_loop3A_311 = arith.index_cast %parallel_loop3A_310 : i32 to index
        %parallel_loop3A_312 = tpu.vector_load %arg5[%parallel_loop3A_311] {strides = array<i32>} : memref<2048xf32, #tpu.memory_space<vmem>>, vector<16xf32>,
        %parallel_loop3A_313 = vector.shape_cast %parallel_loop3A_312 : vector<16xf32> to vector<16xf32>
        %parallel_loop3A_314 = arith.constant 0 : i32
        %parallel_loop3A_315 = arith.index_cast %rem3A_265 : i32 to index
        %parallel_loop3A_316 = arith.index_cast %parallel_loop3A_314 : i32 to index
        %parallel_loop3A_317 = arith.index_cast %parallel_loop3A_310 : i32 to index
        %parallel_loop3A_318 = tpu.vector_load %arg6[%parallel_loop3A_315, %parallel_loop3A_316, %parallel_loop3A_317] {strides = array<i32>} : memref<7x8x2048xf32, #tpu.memory_space<vmem>>, vector<1x1x16xf32>,
        %parallel_loop3A_319 = vector.shape_cast %parallel_loop3A_318 : vector<1x1x16xf32> to vector<16xf32>
        %parallel_loop3A_320 = vector.shape_cast %parallel_loop3A_313 : vector<16xf32> to vector<1x1x16xf32>
        tpu.vector_store %arg6[%parallel_loop3A_315, %parallel_loop3A_316, %parallel_loop3A_317], %parallel_loop3A_320 {add = true, strides = array<i32>} : memref<7x8x2048xf32, #tpu.memory_space<vmem>>, vector<1x1x16xf32>,
        %parallel_loop3A_321 = arith.constant 1 : i32
        %parallel_loop3A_322 = arith.index_cast %rem3A_265 : i32 to index
        %parallel_loop3A_323 = arith.index_cast %parallel_loop3A_321 : i32 to index
        %parallel_loop3A_324 = arith.index_cast %parallel_loop3A_310 : i32 to index
        %parallel_loop3A_325 = tpu.vector_load %arg6[%parallel_loop3A_322, %parallel_loop3A_323, %parallel_loop3A_324] {strides = array<i32>} : memref<7x8x2048xf32, #tpu.memory_space<vmem>>, vector<1x1x16xf32>,
        %parallel_loop3A_326 = vector.shape_cast %parallel_loop3A_325 : vector<1x1x16xf32> to vector<16xf32>
        %parallel_loop3A_327 = vector.shape_cast %parallel_loop3A_313 : vector<16xf32> to vector<1x1x16xf32>
        tpu.vector_store %arg6[%parallel_loop3A_322, %parallel_loop3A_323, %parallel_loop3A_324], %parallel_loop3A_327 {add = true, strides = array<i32>} : memref<7x8x2048xf32, #tpu.memory_space<vmem>>, vector<1x1x16xf32>,
        %parallel_loop3A_328 = arith.constant 2 : i32
        %parallel_loop3A_329 = arith.index_cast %rem3A_265 : i32 to index
        %parallel_loop3A_330 = arith.index_cast %parallel_loop3A_328 : i32 to index
        %parallel_loop3A_331 = arith.index_cast %parallel_loop3A_310 : i32 to index
        %parallel_loop3A_332 = tpu.vector_load %arg6[%parallel_loop3A_329, %parallel_loop3A_330, %parallel_loop3A_331] {strides = array<i32>} : memref<7x8x2048xf32, #tpu.memory_space<vmem>>, vector<1x1x16xf32>,
        %parallel_loop3A_333 = vector.shape_cast %parallel_loop3A_332 : vector<1x1x16xf32> to vector<16xf32>
        %parallel_loop3A_334 = vector.shape_cast %parallel_loop3A_313 : vector<16xf32> to vector<1x1x16xf32>
        tpu.vector_store %arg6[%parallel_loop3A_329, %parallel_loop3A_330, %parallel_loop3A_331], %parallel_loop3A_334 {add = true, strides = array<i32>} : memref<7x8x2048xf32, #tpu.memory_space<vmem>>, vector<1x1x16xf32>,
        %parallel_loop3A_335 = arith.constant 3 : i32
        %parallel_loop3A_336 = arith.index_cast %rem3A_265 : i32 to index
        %parallel_loop3A_337 = arith.index_cast %parallel_loop3A_335 : i32 to index
        %parallel_loop3A_338 = arith.index_cast %parallel_loop3A_310 : i32 to index
        %parallel_loop3A_339 = tpu.vector_load %arg6[%parallel_loop3A_336, %parallel_loop3A_337, %parallel_loop3A_338] {strides = array<i32>} : memref<7x8x2048xf32, #tpu.memory_space<vmem>>, vector<1x1x16xf32>,
        %parallel_loop3A_340 = vector.shape_cast %parallel_loop3A_339 : vector<1x1x16xf32> to vector<16xf32>
        %parallel_loop3A_341 = vector.shape_cast %parallel_loop3A_313 : vector<16xf32> to vector<1x1x16xf32>
        tpu.vector_store %arg6[%parallel_loop3A_336, %parallel_loop3A_337, %parallel_loop3A_338], %parallel_loop3A_341 {add = true, strides = array<i32>} : memref<7x8x2048xf32, #tpu.memory_space<vmem>>, vector<1x1x16xf32>,
        %parallel_loop3A_342 = arith.constant 4 : i32
        %parallel_loop3A_343 = arith.index_cast %rem3A_265 : i32 to index
        %parallel_loop3A_344 = arith.index_cast %parallel_loop3A_342 : i32 to index
        %parallel_loop3A_345 = arith.index_cast %parallel_loop3A_310 : i32 to index
        %parallel_loop3A_346 = tpu.vector_load %arg6[%parallel_loop3A_343, %parallel_loop3A_344, %parallel_loop3A_345] {strides = array<i32>} : memref<7x8x2048xf32, #tpu.memory_space<vmem>>, vector<1x1x16xf32>,
        %parallel_loop3A_347 = vector.shape_cast %parallel_loop3A_346 : vector<1x1x16xf32> to vector<16xf32>
        %parallel_loop3A_348 = vector.shape_cast %parallel_loop3A_313 : vector<16xf32> to vector<1x1x16xf32>
        tpu.vector_store %arg6[%parallel_loop3A_343, %parallel_loop3A_344, %parallel_loop3A_345], %parallel_loop3A_348 {add = true, strides = array<i32>} : memref<7x8x2048xf32, #tpu.memory_space<vmem>>, vector<1x1x16xf32>,
        %parallel_loop3A_349 = arith.constant 5 : i32
        %parallel_loop3A_350 = arith.index_cast %rem3A_265 : i32 to index
        %parallel_loop3A_351 = arith.index_cast %parallel_loop3A_349 : i32 to index
        %parallel_loop3A_352 = arith.index_cast %parallel_loop3A_310 : i32 to index
        %parallel_loop3A_353 = tpu.vector_load %arg6[%parallel_loop3A_350, %parallel_loop3A_351, %parallel_loop3A_352] {strides = array<i32>} : memref<7x8x2048xf32, #tpu.memory_space<vmem>>, vector<1x1x16xf32>,
        %parallel_loop3A_354 = vector.shape_cast %parallel_loop3A_353 : vector<1x1x16xf32> to vector<16xf32>
        %parallel_loop3A_355 = vector.shape_cast %parallel_loop3A_313 : vector<16xf32> to vector<1x1x16xf32>
        tpu.vector_store %arg6[%parallel_loop3A_350, %parallel_loop3A_351, %parallel_loop3A_352], %parallel_loop3A_355 {add = true, strides = array<i32>} : memref<7x8x2048xf32, #tpu.memory_space<vmem>>, vector<1x1x16xf32>,
        %parallel_loop3A_356 = arith.constant 6 : i32
        %parallel_loop3A_357 = arith.index_cast %rem3A_265 : i32 to index
        %parallel_loop3A_358 = arith.index_cast %parallel_loop3A_356 : i32 to index
        %parallel_loop3A_359 = arith.index_cast %parallel_loop3A_310 : i32 to index
        %parallel_loop3A_360 = tpu.vector_load %arg6[%parallel_loop3A_357, %parallel_loop3A_358, %parallel_loop3A_359] {strides = array<i32>} : memref<7x8x2048xf32, #tpu.memory_space<vmem>>, vector<1x1x16xf32>,
        %parallel_loop3A_361 = vector.shape_cast %parallel_loop3A_360 : vector<1x1x16xf32> to vector<16xf32>
        %parallel_loop3A_362 = vector.shape_cast %parallel_loop3A_313 : vector<16xf32> to vector<1x1x16xf32>
        tpu.vector_store %arg6[%parallel_loop3A_357, %parallel_loop3A_358, %parallel_loop3A_359], %parallel_loop3A_362 {add = true, strides = array<i32>} : memref<7x8x2048xf32, #tpu.memory_space<vmem>>, vector<1x1x16xf32>,
        %parallel_loop3A_363 = arith.constant 7 : i32
        %parallel_loop3A_364 = arith.index_cast %rem3A_265 : i32 to index
        %parallel_loop3A_365 = arith.index_cast %parallel_loop3A_363 : i32 to index
        %parallel_loop3A_366 = arith.index_cast %parallel_loop3A_310 : i32 to index
        %parallel_loop3A_367 = tpu.vector_load %arg6[%parallel_loop3A_364, %parallel_loop3A_365, %parallel_loop3A_366] {strides = array<i32>} : memref<7x8x2048xf32, #tpu.memory_space<vmem>>, vector<1x1x16xf32>,
        %parallel_loop3A_368 = vector.shape_cast %parallel_loop3A_367 : vector<1x1x16xf32> to vector<16xf32>
        %parallel_loop3A_369 = vector.shape_cast %parallel_loop3A_313 : vector<16xf32> to vector<1x1x16xf32>
        tpu.vector_store %arg6[%parallel_loop3A_364, %parallel_loop3A_365, %parallel_loop3A_366], %parallel_loop3A_369 {add = true, strides = array<i32>} : memref<7x8x2048xf32, #tpu.memory_space<vmem>>, vector<1x1x16xf32>,
      } {sc.loop_unroll_factor = 1 : i64, sc.parallel_access}
      %mul3A_286 = arith.constant 8 : i32
      %mul3A_287 = arith.muli %scan3A_264, %mul3A_286 : i32
      %dma_start3A_288 = arith.constant 0 : i32
      %dma_start3A_289 = arith.constant 0 : i32
      %dma_start3A_290 = tpu.memref_slice %arg6[%rem3A_265, %dma_start3A_288, %dma_start3A_289] : memref<7x8x2048xf32, #tpu.memory_space<vmem>> -> memref<1x8x2048xf32, #tpu.memory_space<vmem>>
      %dma_start3A_291 = tpu.memref_squeeze %dma_start3A_290 : memref<1x8x2048xf32, #tpu.memory_space<vmem>> -> memref<8x2048xf32, #tpu.memory_space<vmem>>
      %dma_start3A_292 = arith.constant 0 : i32
      %dma_start3A_293 = tpu.memref_slice %arg4[%mul3A_287, %add3A, %dma_start3A_292] : memref<128x32x2048xf32, #tpu.memory_space<hbm>> -> memref<8x1x2048xf32, #tpu.memory_space<hbm>>
      %dma_start3A_294 = tpu.memref_squeeze %dma_start3A_293 : memref<8x1x2048xf32, #tpu.memory_space<hbm>> -> memref<8x2048xf32, #tpu.memory_space<hbm>>
      %dma_start3A_295 = tpu.memref_slice %arg8[%rem3A_265] : memref<7x!tpu.dma_semaphore, #tpu.memory_space<semaphore_mem>> -> memref<1x!tpu.dma_semaphore, #tpu.memory_space<semaphore_mem>>
      %dma_start3A_296 = tpu.memref_squeeze %dma_start3A_295 : memref<1x!tpu.dma_semaphore, #tpu.memory_space<semaphore_mem>> -> memref<!tpu.dma_semaphore, #tpu.memory_space<semaphore_mem>>
      %dma_start3A_297 = arith.constant 0 : i32
      %dma_start3A_298 = tpu.memref_slice %arg4[%mul3A_287, %add3A, %dma_start3A_297] : memref<128x32x2048xf32, #tpu.memory_space<hbm>> -> memref<8x1x2048xf32, #tpu.memory_space<hbm>>
      %dma_start3A_299 = tpu.memref_squeeze %dma_start3A_298 : memref<8x1x2048xf32, #tpu.memory_space<hbm>> -> memref<8x2048xf32, #tpu.memory_space<hbm>>
      %dma_start3A_300 = arith.constant 0 : i32
      %dma_start3A_301 = arith.constant 0 : i32
      %dma_start3A_302 = tpu.memref_slice %arg6[%rem3A_265, %dma_start3A_300, %dma_start3A_301] : memref<7x8x2048xf32, #tpu.memory_space<vmem>> -> memref<1x8x2048xf32, #tpu.memory_space<vmem>>
      %dma_start3A_303 = tpu.memref_squeeze %dma_start3A_302 : memref<1x8x2048xf32, #tpu.memory_space<vmem>> -> memref<8x2048xf32, #tpu.memory_space<vmem>>
      tpu.enqueue_dma source(%dma_start3A_303 : memref<8x2048xf32, #tpu.memory_space<vmem>>) target(%dma_start3A_299 : memref<8x2048xf32, #tpu.memory_space<hbm>>) target_semaphore(%dma_start3A_296 : memref<!tpu.dma_semaphore, #tpu.memory_space<semaphore_mem>>)
      %add3A_304 = arith.constant 6 : i32
      %add3A_305 = arith.addi %scan3A_264, %add3A_304 : i32
      %rem3A_306 = arith.constant 7 : i32
      %rem3A_307 = arith.remsi %add3A_305, %rem3A_306 : i32
      %lt3A = arith.constant 16 : i32
      %lt3A_308 = arith.cmpi slt, %add3A_305, %lt3A : i32
      %convert_element_type3A = arith.extui %lt3A_308 : i1 to i32
      %cond3A = arith.constant 0 : i32
      %cond3A_309 = arith.cmpi ne, %convert_element_type3A, %cond3A : i32
      scf.if %cond3A_309 {
        %ge3A = arith.constant 7 : i32
        %ge3A_310 = arith.cmpi sge, %add3A_305, %ge3A : i32
        %convert_element_type3A_311 = arith.extui %ge3A_310 : i1 to i32
        %cond3A_312 = arith.constant 0 : i32
        %cond3A_313 = arith.cmpi ne, %convert_element_type3A_311, %cond3A_312 : i32
        scf.if %cond3A_313 {
          %sub3A = arith.constant 7 : i32
          %sub3A_332 = arith.subi %add3A_305, %sub3A : i32
          %mul3A_333 = arith.constant 8 : i32
          %mul3A_334 = arith.muli %sub3A_332, %mul3A_333 : i32
          %dma_wait3A_335 = arith.constant 0 : i32
          %dma_wait3A_336 = arith.constant 0 : i32
          %dma_wait3A_337 = tpu.memref_slice %arg6[%rem3A_307, %dma_wait3A_335, %dma_wait3A_336] : memref<7x8x2048xf32, #tpu.memory_space<vmem>> -> memref<1x8x2048xf32, #tpu.memory_space<vmem>>
          %dma_wait3A_338 = tpu.memref_squeeze %dma_wait3A_337 : memref<1x8x2048xf32, #tpu.memory_space<vmem>> -> memref<8x2048xf32, #tpu.memory_space<vmem>>
          %dma_wait3A_339 = arith.constant 0 : i32
          %dma_wait3A_340 = tpu.memref_slice %arg4[%mul3A_334, %add3A, %dma_wait3A_339] : memref<128x32x2048xf32, #tpu.memory_space<hbm>> -> memref<8x1x2048xf32, #tpu.memory_space<hbm>>
          %dma_wait3A_341 = tpu.memref_squeeze %dma_wait3A_340 : memref<8x1x2048xf32, #tpu.memory_space<hbm>> -> memref<8x2048xf32, #tpu.memory_space<hbm>>
          %dma_wait3A_342 = tpu.memref_slice %arg8[%rem3A_307] : memref<7x!tpu.dma_semaphore, #tpu.memory_space<semaphore_mem>> -> memref<1x!tpu.dma_semaphore, #tpu.memory_space<semaphore_mem>>
          %dma_wait3A_343 = tpu.memref_squeeze %dma_wait3A_342 : memref<1x!tpu.dma_semaphore, #tpu.memory_space<semaphore_mem>> -> memref<!tpu.dma_semaphore, #tpu.memory_space<semaphore_mem>>
          %dma_wait3A_344 = arith.constant 0 : i32
          %dma_wait3A_345 = tpu.memref_slice %arg4[%mul3A_334, %add3A, %dma_wait3A_344] : memref<128x32x2048xf32, #tpu.memory_space<hbm>> -> memref<8x1x2048xf32, #tpu.memory_space<hbm>>
          %dma_wait3A_346 = tpu.memref_squeeze %dma_wait3A_345 : memref<8x1x2048xf32, #tpu.memory_space<hbm>> -> memref<8x2048xf32, #tpu.memory_space<hbm>>
          %dma_wait3A_347 = arith.constant 0 : i32
          %dma_wait3A_348 = arith.constant 0 : i32
          %dma_wait3A_349 = tpu.memref_slice %arg6[%rem3A_307, %dma_wait3A_347, %dma_wait3A_348] : memref<7x8x2048xf32, #tpu.memory_space<vmem>> -> memref<1x8x2048xf32, #tpu.memory_space<vmem>>
          %dma_wait3A_350 = tpu.memref_squeeze %dma_wait3A_349 : memref<1x8x2048xf32, #tpu.memory_space<vmem>> -> memref<8x2048xf32, #tpu.memory_space<vmem>>
          tpu.wait_dma2 semaphore(%dma_wait3A_343 : memref<!tpu.dma_semaphore, #tpu.memory_space<semaphore_mem>>) src(%dma_wait3A_350 : memref<8x2048xf32, #tpu.memory_space<vmem>>) dst(%dma_wait3A_346 : memref<8x2048xf32, #tpu.memory_space<hbm>>)
        } else {
        }
        %mul3A_314 = arith.constant 8 : i32
        %mul3A_315 = arith.muli %add3A_305, %mul3A_314 : i32
        %dma_start3A_316 = arith.constant 0 : i32
        %dma_start3A_317 = arith.constant 0 : i32
        %dma_start3A_318 = tpu.memref_slice %arg6[%rem3A_307, %dma_start3A_316, %dma_start3A_317] : memref<7x8x2048xf32, #tpu.memory_space<vmem>> -> memref<1x8x2048xf32, #tpu.memory_space<vmem>>
        %dma_start3A_319 = tpu.memref_squeeze %dma_start3A_318 : memref<1x8x2048xf32, #tpu.memory_space<vmem>> -> memref<8x2048xf32, #tpu.memory_space<vmem>>
        %dma_start3A_320 = arith.constant 0 : i32
        %dma_start3A_321 = tpu.memref_slice %arg2[%mul3A_315, %add3A, %dma_start3A_320] : memref<128x32x2048xf32, #tpu.memory_space<hbm>> -> memref<8x1x2048xf32, #tpu.memory_space<hbm>>
        %dma_start3A_322 = tpu.memref_squeeze %dma_start3A_321 : memref<8x1x2048xf32, #tpu.memory_space<hbm>> -> memref<8x2048xf32, #tpu.memory_space<hbm>>
        %dma_start3A_323 = tpu.memref_slice %arg7[%rem3A_307] : memref<7x!tpu.dma_semaphore, #tpu.memory_space<semaphore_mem>> -> memref<1x!tpu.dma_semaphore, #tpu.memory_space<semaphore_mem>>
        %dma_start3A_324 = tpu.memref_squeeze %dma_start3A_323 : memref<1x!tpu.dma_semaphore, #tpu.memory_space<semaphore_mem>> -> memref<!tpu.dma_semaphore, #tpu.memory_space<semaphore_mem>>
        %dma_start3A_325 = arith.constant 0 : i32
        %dma_start3A_326 = arith.constant 0 : i32
        %dma_start3A_327 = tpu.memref_slice %arg6[%rem3A_307, %dma_start3A_325, %dma_start3A_326] : memref<7x8x2048xf32, #tpu.memory_space<vmem>> -> memref<1x8x2048xf32, #tpu.memory_space<vmem>>
        %dma_start3A_328 = tpu.memref_squeeze %dma_start3A_327 : memref<1x8x2048xf32, #tpu.memory_space<vmem>> -> memref<8x2048xf32, #tpu.memory_space<vmem>>
        %dma_start3A_329 = arith.constant 0 : i32
        %dma_start3A_330 = tpu.memref_slice %arg2[%mul3A_315, %add3A, %dma_start3A_329] : memref<128x32x2048xf32, #tpu.memory_space<hbm>> -> memref<8x1x2048xf32, #tpu.memory_space<hbm>>
        %dma_start3A_331 = tpu.memref_squeeze %dma_start3A_330 : memref<8x1x2048xf32, #tpu.memory_space<hbm>> -> memref<8x2048xf32, #tpu.memory_space<hbm>>
        tpu.enqueue_dma source(%dma_start3A_331 : memref<8x2048xf32, #tpu.memory_space<hbm>>) target(%dma_start3A_328 : memref<8x2048xf32, #tpu.memory_space<vmem>>) target_semaphore(%dma_start3A_324 : memref<!tpu.dma_semaphore, #tpu.memory_space<semaphore_mem>>)
      } else {
      }
    }
    %scan3A_124 = arith.constant 16 : i32
    %dma_wait3A = arith.constant 2 : i32
    %dma_wait3A_125 = arith.constant 2 : i32
    %dma_wait3A_126 = arith.constant 0 : i32
    %dma_wait3A_127 = arith.constant 0 : i32
    %dma_wait3A_128 = tpu.memref_slice %arg6[%dma_wait3A, %dma_wait3A_126, %dma_wait3A_127] : memref<7x8x2048xf32, #tpu.memory_space<vmem>> -> memref<1x8x2048xf32, #tpu.memory_space<vmem>>
    %dma_wait3A_129 = tpu.memref_squeeze %dma_wait3A_128 : memref<1x8x2048xf32, #tpu.memory_space<vmem>> -> memref<8x2048xf32, #tpu.memory_space<vmem>>
    %dma_wait3A_130 = arith.constant 72 : i32
    %dma_wait3A_131 = arith.constant 0 : i32
    %dma_wait3A_132 = tpu.memref_slice %arg4[%dma_wait3A_130, %add3A, %dma_wait3A_131] : memref<128x32x2048xf32, #tpu.memory_space<hbm>> -> memref<8x1x2048xf32, #tpu.memory_space<hbm>>
    %dma_wait3A_133 = tpu.memref_squeeze %dma_wait3A_132 : memref<8x1x2048xf32, #tpu.memory_space<hbm>> -> memref<8x2048xf32, #tpu.memory_space<hbm>>
    %dma_wait3A_134 = tpu.memref_slice %arg8[%dma_wait3A_125] : memref<7x!tpu.dma_semaphore, #tpu.memory_space<semaphore_mem>> -> memref<1x!tpu.dma_semaphore, #tpu.memory_space<semaphore_mem>>
    %dma_wait3A_135 = tpu.memref_squeeze %dma_wait3A_134 : memref<1x!tpu.dma_semaphore, #tpu.memory_space<semaphore_mem>> -> memref<!tpu.dma_semaphore, #tpu.memory_space<semaphore_mem>>
    %dma_wait3A_136 = arith.constant 72 : i32
    %dma_wait3A_137 = arith.constant 0 : i32
    %dma_wait3A_138 = tpu.memref_slice %arg4[%dma_wait3A_136, %add3A, %dma_wait3A_137] : memref<128x32x2048xf32, #tpu.memory_space<hbm>> -> memref<8x1x2048xf32, #tpu.memory_space<hbm>>
    %dma_wait3A_139 = tpu.memref_squeeze %dma_wait3A_138 : memref<8x1x2048xf32, #tpu.memory_space<hbm>> -> memref<8x2048xf32, #tpu.memory_space<hbm>>
    %dma_wait3A_140 = arith.constant 0 : i32
    %dma_wait3A_141 = arith.constant 0 : i32
    %dma_wait3A_142 = tpu.memref_slice %arg6[%dma_wait3A, %dma_wait3A_140, %dma_wait3A_141] : memref<7x8x2048xf32, #tpu.memory_space<vmem>> -> memref<1x8x2048xf32, #tpu.memory_space<vmem>>
    %dma_wait3A_143 = tpu.memref_squeeze %dma_wait3A_142 : memref<1x8x2048xf32, #tpu.memory_space<vmem>> -> memref<8x2048xf32, #tpu.memory_space<vmem>>
    tpu.wait_dma2 semaphore(%dma_wait3A_135 : memref<!tpu.dma_semaphore, #tpu.memory_space<semaphore_mem>>) src(%dma_wait3A_143 : memref<8x2048xf32, #tpu.memory_space<vmem>>) dst(%dma_wait3A_139 : memref<8x2048xf32, #tpu.memory_space<hbm>>)
    %dma_wait3A_144 = arith.constant 3 : i32
    %dma_wait3A_145 = arith.constant 3 : i32
    %dma_wait3A_146 = arith.constant 0 : i32
    %dma_wait3A_147 = arith.constant 0 : i32
    %dma_wait3A_148 = tpu.memref_slice %arg6[%dma_wait3A_144, %dma_wait3A_146, %dma_wait3A_147] : memref<7x8x2048xf32, #tpu.memory_space<vmem>> -> memref<1x8x2048xf32, #tpu.memory_space<vmem>>
    %dma_wait3A_149 = tpu.memref_squeeze %dma_wait3A_148 : memref<1x8x2048xf32, #tpu.memory_space<vmem>> -> memref<8x2048xf32, #tpu.memory_space<vmem>>
    %dma_wait3A_150 = arith.constant 80 : i32
    %dma_wait3A_151 = arith.constant 0 : i32
    %dma_wait3A_152 = tpu.memref_slice %arg4[%dma_wait3A_150, %add3A, %dma_wait3A_151] : memref<128x32x2048xf32, #tpu.memory_space<hbm>> -> memref<8x1x2048xf32, #tpu.memory_space<hbm>>
    %dma_wait3A_153 = tpu.memref_squeeze %dma_wait3A_152 : memref<8x1x2048xf32, #tpu.memory_space<hbm>> -> memref<8x2048xf32, #tpu.memory_space<hbm>>
    %dma_wait3A_154 = tpu.memref_slice %arg8[%dma_wait3A_145] : memref<7x!tpu.dma_semaphore, #tpu.memory_space<semaphore_mem>> -> memref<1x!tpu.dma_semaphore, #tpu.memory_space<semaphore_mem>>
    %dma_wait3A_155 = tpu.memref_squeeze %dma_wait3A_154 : memref<1x!tpu.dma_semaphore, #tpu.memory_space<semaphore_mem>> -> memref<!tpu.dma_semaphore, #tpu.memory_space<semaphore_mem>>
    %dma_wait3A_156 = arith.constant 80 : i32
    %dma_wait3A_157 = arith.constant 0 : i32
    %dma_wait3A_158 = tpu.memref_slice %arg4[%dma_wait3A_156, %add3A, %dma_wait3A_157] : memref<128x32x2048xf32, #tpu.memory_space<hbm>> -> memref<8x1x2048xf32, #tpu.memory_space<hbm>>
    %dma_wait3A_159 = tpu.memref_squeeze %dma_wait3A_158 : memref<8x1x2048xf32, #tpu.memory_space<hbm>> -> memref<8x2048xf32, #tpu.memory_space<hbm>>
    %dma_wait3A_160 = arith.constant 0 : i32
    %dma_wait3A_161 = arith.constant 0 : i32
    %dma_wait3A_162 = tpu.memref_slice %arg6[%dma_wait3A_144, %dma_wait3A_160, %dma_wait3A_161] : memref<7x8x2048xf32, #tpu.memory_space<vmem>> -> memref<1x8x2048xf32, #tpu.memory_space<vmem>>
    %dma_wait3A_163 = tpu.memref_squeeze %dma_wait3A_162 : memref<1x8x2048xf32, #tpu.memory_space<vmem>> -> memref<8x2048xf32, #tpu.memory_space<vmem>>
    tpu.wait_dma2 semaphore(%dma_wait3A_155 : memref<!tpu.dma_semaphore, #tpu.memory_space<semaphore_mem>>) src(%dma_wait3A_163 : memref<8x2048xf32, #tpu.memory_space<vmem>>) dst(%dma_wait3A_159 : memref<8x2048xf32, #tpu.memory_space<hbm>>)
    %dma_wait3A_164 = arith.constant 4 : i32
    %dma_wait3A_165 = arith.constant 4 : i32
    %dma_wait3A_166 = arith.constant 0 : i32
    %dma_wait3A_167 = arith.constant 0 : i32
    %dma_wait3A_168 = tpu.memref_slice %arg6[%dma_wait3A_164, %dma_wait3A_166, %dma_wait3A_167] : memref<7x8x2048xf32, #tpu.memory_space<vmem>> -> memref<1x8x2048xf32, #tpu.memory_space<vmem>>
    %dma_wait3A_169 = tpu.memref_squeeze %dma_wait3A_168 : memref<1x8x2048xf32, #tpu.memory_space<vmem>> -> memref<8x2048xf32, #tpu.memory_space<vmem>>
    %dma_wait3A_170 = arith.constant 88 : i32
    %dma_wait3A_171 = arith.constant 0 : i32
    %dma_wait3A_172 = tpu.memref_slice %arg4[%dma_wait3A_170, %add3A, %dma_wait3A_171] : memref<128x32x2048xf32, #tpu.memory_space<hbm>> -> memref<8x1x2048xf32, #tpu.memory_space<hbm>>
    %dma_wait3A_173 = tpu.memref_squeeze %dma_wait3A_172 : memref<8x1x2048xf32, #tpu.memory_space<hbm>> -> memref<8x2048xf32, #tpu.memory_space<hbm>>
    %dma_wait3A_174 = tpu.memref_slice %arg8[%dma_wait3A_165] : memref<7x!tpu.dma_semaphore, #tpu.memory_space<semaphore_mem>> -> memref<1x!tpu.dma_semaphore, #tpu.memory_space<semaphore_mem>>
    %dma_wait3A_175 = tpu.memref_squeeze %dma_wait3A_174 : memref<1x!tpu.dma_semaphore, #tpu.memory_space<semaphore_mem>> -> memref<!tpu.dma_semaphore, #tpu.memory_space<semaphore_mem>>
    %dma_wait3A_176 = arith.constant 88 : i32
    %dma_wait3A_177 = arith.constant 0 : i32
    %dma_wait3A_178 = tpu.memref_slice %arg4[%dma_wait3A_176, %add3A, %dma_wait3A_177] : memref<128x32x2048xf32, #tpu.memory_space<hbm>> -> memref<8x1x2048xf32, #tpu.memory_space<hbm>>
    %dma_wait3A_179 = tpu.memref_squeeze %dma_wait3A_178 : memref<8x1x2048xf32, #tpu.memory_space<hbm>> -> memref<8x2048xf32, #tpu.memory_space<hbm>>
    %dma_wait3A_180 = arith.constant 0 : i32
    %dma_wait3A_181 = arith.constant 0 : i32
    %dma_wait3A_182 = tpu.memref_slice %arg6[%dma_wait3A_164, %dma_wait3A_180, %dma_wait3A_181] : memref<7x8x2048xf32, #tpu.memory_space<vmem>> -> memref<1x8x2048xf32, #tpu.memory_space<vmem>>
    %dma_wait3A_183 = tpu.memref_squeeze %dma_wait3A_182 : memref<1x8x2048xf32, #tpu.memory_space<vmem>> -> memref<8x2048xf32, #tpu.memory_space<vmem>>
    tpu.wait_dma2 semaphore(%dma_wait3A_175 : memref<!tpu.dma_semaphore, #tpu.memory_space<semaphore_mem>>) src(%dma_wait3A_183 : memref<8x2048xf32, #tpu.memory_space<vmem>>) dst(%dma_wait3A_179 : memref<8x2048xf32, #tpu.memory_space<hbm>>)
    %dma_wait3A_184 = arith.constant 5 : i32
    %dma_wait3A_185 = arith.constant 5 : i32
    %dma_wait3A_186 = arith.constant 0 : i32
    %dma_wait3A_187 = arith.constant 0 : i32
    %dma_wait3A_188 = tpu.memref_slice %arg6[%dma_wait3A_184, %dma_wait3A_186, %dma_wait3A_187] : memref<7x8x2048xf32, #tpu.memory_space<vmem>> -> memref<1x8x2048xf32, #tpu.memory_space<vmem>>
    %dma_wait3A_189 = tpu.memref_squeeze %dma_wait3A_188 : memref<1x8x2048xf32, #tpu.memory_space<vmem>> -> memref<8x2048xf32, #tpu.memory_space<vmem>>
    %dma_wait3A_190 = arith.constant 96 : i32
    %dma_wait3A_191 = arith.constant 0 : i32
    %dma_wait3A_192 = tpu.memref_slice %arg4[%dma_wait3A_190, %add3A, %dma_wait3A_191] : memref<128x32x2048xf32, #tpu.memory_space<hbm>> -> memref<8x1x2048xf32, #tpu.memory_space<hbm>>
    %dma_wait3A_193 = tpu.memref_squeeze %dma_wait3A_192 : memref<8x1x2048xf32, #tpu.memory_space<hbm>> -> memref<8x2048xf32, #tpu.memory_space<hbm>>
    %dma_wait3A_194 = tpu.memref_slice %arg8[%dma_wait3A_185] : memref<7x!tpu.dma_semaphore, #tpu.memory_space<semaphore_mem>> -> memref<1x!tpu.dma_semaphore, #tpu.memory_space<semaphore_mem>>
    %dma_wait3A_195 = tpu.memref_squeeze %dma_wait3A_194 : memref<1x!tpu.dma_semaphore, #tpu.memory_space<semaphore_mem>> -> memref<!tpu.dma_semaphore, #tpu.memory_space<semaphore_mem>>
    %dma_wait3A_196 = arith.constant 96 : i32
    %dma_wait3A_197 = arith.constant 0 : i32
    %dma_wait3A_198 = tpu.memref_slice %arg4[%dma_wait3A_196, %add3A, %dma_wait3A_197] : memref<128x32x2048xf32, #tpu.memory_space<hbm>> -> memref<8x1x2048xf32, #tpu.memory_space<hbm>>
    %dma_wait3A_199 = tpu.memref_squeeze %dma_wait3A_198 : memref<8x1x2048xf32, #tpu.memory_space<hbm>> -> memref<8x2048xf32, #tpu.memory_space<hbm>>
    %dma_wait3A_200 = arith.constant 0 : i32
    %dma_wait3A_201 = arith.constant 0 : i32
    %dma_wait3A_202 = tpu.memref_slice %arg6[%dma_wait3A_184, %dma_wait3A_200, %dma_wait3A_201] : memref<7x8x2048xf32, #tpu.memory_space<vmem>> -> memref<1x8x2048xf32, #tpu.memory_space<vmem>>
    %dma_wait3A_203 = tpu.memref_squeeze %dma_wait3A_202 : memref<1x8x2048xf32, #tpu.memory_space<vmem>> -> memref<8x2048xf32, #tpu.memory_space<vmem>>
    tpu.wait_dma2 semaphore(%dma_wait3A_195 : memref<!tpu.dma_semaphore, #tpu.memory_space<semaphore_mem>>) src(%dma_wait3A_203 : memref<8x2048xf32, #tpu.memory_space<vmem>>) dst(%dma_wait3A_199 : memref<8x2048xf32, #tpu.memory_space<hbm>>)
    %dma_wait3A_204 = arith.constant 6 : i32
    %dma_wait3A_205 = arith.constant 6 : i32
    %dma_wait3A_206 = arith.constant 0 : i32
    %dma_wait3A_207 = arith.constant 0 : i32
    %dma_wait3A_208 = tpu.memref_slice %arg6[%dma_wait3A_204, %dma_wait3A_206, %dma_wait3A_207] : memref<7x8x2048xf32, #tpu.memory_space<vmem>> -> memref<1x8x2048xf32, #tpu.memory_space<vmem>>
    %dma_wait3A_209 = tpu.memref_squeeze %dma_wait3A_208 : memref<1x8x2048xf32, #tpu.memory_space<vmem>> -> memref<8x2048xf32, #tpu.memory_space<vmem>>
    %dma_wait3A_210 = arith.constant 104 : i32
    %dma_wait3A_211 = arith.constant 0 : i32
    %dma_wait3A_212 = tpu.memref_slice %arg4[%dma_wait3A_210, %add3A, %dma_wait3A_211] : memref<128x32x2048xf32, #tpu.memory_space<hbm>> -> memref<8x1x2048xf32, #tpu.memory_space<hbm>>
    %dma_wait3A_213 = tpu.memref_squeeze %dma_wait3A_212 : memref<8x1x2048xf32, #tpu.memory_space<hbm>> -> memref<8x2048xf32, #tpu.memory_space<hbm>>
    %dma_wait3A_214 = tpu.memref_slice %arg8[%dma_wait3A_205] : memref<7x!tpu.dma_semaphore, #tpu.memory_space<semaphore_mem>> -> memref<1x!tpu.dma_semaphore, #tpu.memory_space<semaphore_mem>>
    %dma_wait3A_215 = tpu.memref_squeeze %dma_wait3A_214 : memref<1x!tpu.dma_semaphore, #tpu.memory_space<semaphore_mem>> -> memref<!tpu.dma_semaphore, #tpu.memory_space<semaphore_mem>>
    %dma_wait3A_216 = arith.constant 104 : i32
    %dma_wait3A_217 = arith.constant 0 : i32
    %dma_wait3A_218 = tpu.memref_slice %arg4[%dma_wait3A_216, %add3A, %dma_wait3A_217] : memref<128x32x2048xf32, #tpu.memory_space<hbm>> -> memref<8x1x2048xf32, #tpu.memory_space<hbm>>
    %dma_wait3A_219 = tpu.memref_squeeze %dma_wait3A_218 : memref<8x1x2048xf32, #tpu.memory_space<hbm>> -> memref<8x2048xf32, #tpu.memory_space<hbm>>
    %dma_wait3A_220 = arith.constant 0 : i32
    %dma_wait3A_221 = arith.constant 0 : i32
    %dma_wait3A_222 = tpu.memref_slice %arg6[%dma_wait3A_204, %dma_wait3A_220, %dma_wait3A_221] : memref<7x8x2048xf32, #tpu.memory_space<vmem>> -> memref<1x8x2048xf32, #tpu.memory_space<vmem>>
    %dma_wait3A_223 = tpu.memref_squeeze %dma_wait3A_222 : memref<1x8x2048xf32, #tpu.memory_space<vmem>> -> memref<8x2048xf32, #tpu.memory_space<vmem>>
    tpu.wait_dma2 semaphore(%dma_wait3A_215 : memref<!tpu.dma_semaphore, #tpu.memory_space<semaphore_mem>>) src(%dma_wait3A_223 : memref<8x2048xf32, #tpu.memory_space<vmem>>) dst(%dma_wait3A_219 : memref<8x2048xf32, #tpu.memory_space<hbm>>)
    %dma_wait3A_224 = arith.constant 0 : i32
    %dma_wait3A_225 = arith.constant 0 : i32
    %dma_wait3A_226 = arith.constant 0 : i32
    %dma_wait3A_227 = arith.constant 0 : i32
    %dma_wait3A_228 = tpu.memref_slice %arg6[%dma_wait3A_224, %dma_wait3A_226, %dma_wait3A_227] : memref<7x8x2048xf32, #tpu.memory_space<vmem>> -> memref<1x8x2048xf32, #tpu.memory_space<vmem>>
    %dma_wait3A_229 = tpu.memref_squeeze %dma_wait3A_228 : memref<1x8x2048xf32, #tpu.memory_space<vmem>> -> memref<8x2048xf32, #tpu.memory_space<vmem>>
    %dma_wait3A_230 = arith.constant 112 : i32
    %dma_wait3A_231 = arith.constant 0 : i32
    %dma_wait3A_232 = tpu.memref_slice %arg4[%dma_wait3A_230, %add3A, %dma_wait3A_231] : memref<128x32x2048xf32, #tpu.memory_space<hbm>> -> memref<8x1x2048xf32, #tpu.memory_space<hbm>>
    %dma_wait3A_233 = tpu.memref_squeeze %dma_wait3A_232 : memref<8x1x2048xf32, #tpu.memory_space<hbm>> -> memref<8x2048xf32, #tpu.memory_space<hbm>>
    %dma_wait3A_234 = tpu.memref_slice %arg8[%dma_wait3A_225] : memref<7x!tpu.dma_semaphore, #tpu.memory_space<semaphore_mem>> -> memref<1x!tpu.dma_semaphore, #tpu.memory_space<semaphore_mem>>
    %dma_wait3A_235 = tpu.memref_squeeze %dma_wait3A_234 : memref<1x!tpu.dma_semaphore, #tpu.memory_space<semaphore_mem>> -> memref<!tpu.dma_semaphore, #tpu.memory_space<semaphore_mem>>
    %dma_wait3A_236 = arith.constant 112 : i32
    %dma_wait3A_237 = arith.constant 0 : i32
    %dma_wait3A_238 = tpu.memref_slice %arg4[%dma_wait3A_236, %add3A, %dma_wait3A_237] : memref<128x32x2048xf32, #tpu.memory_space<hbm>> -> memref<8x1x2048xf32, #tpu.memory_space<hbm>>
    %dma_wait3A_239 = tpu.memref_squeeze %dma_wait3A_238 : memref<8x1x2048xf32, #tpu.memory_space<hbm>> -> memref<8x2048xf32, #tpu.memory_space<hbm>>
    %dma_wait3A_240 = arith.constant 0 : i32
    %dma_wait3A_241 = arith.constant 0 : i32
    %dma_wait3A_242 = tpu.memref_slice %arg6[%dma_wait3A_224, %dma_wait3A_240, %dma_wait3A_241] : memref<7x8x2048xf32, #tpu.memory_space<vmem>> -> memref<1x8x2048xf32, #tpu.memory_space<vmem>>
    %dma_wait3A_243 = tpu.memref_squeeze %dma_wait3A_242 : memref<1x8x2048xf32, #tpu.memory_space<vmem>> -> memref<8x2048xf32, #tpu.memory_space<vmem>>
    tpu.wait_dma2 semaphore(%dma_wait3A_235 : memref<!tpu.dma_semaphore, #tpu.memory_space<semaphore_mem>>) src(%dma_wait3A_243 : memref<8x2048xf32, #tpu.memory_space<vmem>>) dst(%dma_wait3A_239 : memref<8x2048xf32, #tpu.memory_space<hbm>>)
    %dma_wait3A_244 = arith.constant 1 : i32
    %dma_wait3A_245 = arith.constant 1 : i32
    %dma_wait3A_246 = arith.constant 0 : i32
    %dma_wait3A_247 = arith.constant 0 : i32
    %dma_wait3A_248 = tpu.memref_slice %arg6[%dma_wait3A_244, %dma_wait3A_246, %dma_wait3A_247] : memref<7x8x2048xf32, #tpu.memory_space<vmem>> -> memref<1x8x2048xf32, #tpu.memory_space<vmem>>
    %dma_wait3A_249 = tpu.memref_squeeze %dma_wait3A_248 : memref<1x8x2048xf32, #tpu.memory_space<vmem>> -> memref<8x2048xf32, #tpu.memory_space<vmem>>
    %dma_wait3A_250 = arith.constant 120 : i32
    %dma_wait3A_251 = arith.constant 0 : i32
    %dma_wait3A_252 = tpu.memref_slice %arg4[%dma_wait3A_250, %add3A, %dma_wait3A_251] : memref<128x32x2048xf32, #tpu.memory_space<hbm>> -> memref<8x1x2048xf32, #tpu.memory_space<hbm>>
    %dma_wait3A_253 = tpu.memref_squeeze %dma_wait3A_252 : memref<8x1x2048xf32, #tpu.memory_space<hbm>> -> memref<8x2048xf32, #tpu.memory_space<hbm>>
    %dma_wait3A_254 = tpu.memref_slice %arg8[%dma_wait3A_245] : memref<7x!tpu.dma_semaphore, #tpu.memory_space<semaphore_mem>> -> memref<1x!tpu.dma_semaphore, #tpu.memory_space<semaphore_mem>>
    %dma_wait3A_255 = tpu.memref_squeeze %dma_wait3A_254 : memref<1x!tpu.dma_semaphore, #tpu.memory_space<semaphore_mem>> -> memref<!tpu.dma_semaphore, #tpu.memory_space<semaphore_mem>>
    %dma_wait3A_256 = arith.constant 120 : i32
    %dma_wait3A_257 = arith.constant 0 : i32
    %dma_wait3A_258 = tpu.memref_slice %arg4[%dma_wait3A_256, %add3A, %dma_wait3A_257] : memref<128x32x2048xf32, #tpu.memory_space<hbm>> -> memref<8x1x2048xf32, #tpu.memory_space<hbm>>
    %dma_wait3A_259 = tpu.memref_squeeze %dma_wait3A_258 : memref<8x1x2048xf32, #tpu.memory_space<hbm>> -> memref<8x2048xf32, #tpu.memory_space<hbm>>
    %dma_wait3A_260 = arith.constant 0 : i32
    %dma_wait3A_261 = arith.constant 0 : i32
    %dma_wait3A_262 = tpu.memref_slice %arg6[%dma_wait3A_244, %dma_wait3A_260, %dma_wait3A_261] : memref<7x8x2048xf32, #tpu.memory_space<vmem>> -> memref<1x8x2048xf32, #tpu.memory_space<vmem>>
    %dma_wait3A_263 = tpu.memref_squeeze %dma_wait3A_262 : memref<1x8x2048xf32, #tpu.memory_space<vmem>> -> memref<8x2048xf32, #tpu.memory_space<vmem>>
    tpu.wait_dma2 semaphore(%dma_wait3A_255 : memref<!tpu.dma_semaphore, #tpu.memory_space<semaphore_mem>>) src(%dma_wait3A_263 : memref<8x2048xf32, #tpu.memory_space<vmem>>) dst(%dma_wait3A_259 : memref<8x2048xf32, #tpu.memory_space<hbm>>)
    return
  }
}

</mosaic_0001>

<sc_bundles>
// kernel: _sc_add.3.cloned.1.call-start
scs
__scs_entry_jumppad:
0x0: {  	(pc) =	sbr.rel $0x88, $3  }
0x1: {  	(tag) =	ssettag $0x0;
	lr =	simm.s32 $0x1  }
0x2: {  	[smem:$0x3F9F] =	sst lr;
	_ =	strace $0xD0000000  }
0x3: {  	_ = 	snop  }
0x4: {  	_ = 	snop  }
0x5: {  	_ = 	snop  }
0x6: {  	_ = 	snop  }
0x7: {  	_ = 	snop  }
__scs_overlays_trampoline_lowered:
0x8: {  	[smem:$0x3FAE] =	sst s0  }
0x9: {  	[smem:$0x3FAF] =	sst s1  }
0xa: {  	[smem:$0x3FB0] =	sst s2  }
0xb: {  	[smem:$0x3FB1] =	sst s3  }
0xc: {  	[smem:$0x3FB2] =	sst s4  }
0xd: {  	[smem:$0x3FB3] =	sst s5  }
0xe: {  	[smem:$0x3FB4] =	sst s6  }
0xf: {  	[smem:$0x3FB5] =	sst s7  }
0x10: {  	[smem:$0x3FB6] =	sst s8  }
0x11: {  	[smem:$0x3FB7] =	sst s9;
	s0 =	simm.s32 @!p0 $0x0  }
0x12: {  	s1 =	sld [smem:$0x3F9D];
	s0 =	simm.s32 @p0 $0x1  }
0x13: {  	[smem:$0x3FB8] =	sst s0;
	s0 =	simm.s32 @!p1 $0x0  }
0x14: {  	s2 =	sld [smem:$0x3F9C];
	s0 =	simm.s32 @p1 $0x1  }
0x15: {  	[smem:$0x3FB9] =	sst s0;
	s0 =	simm.s32 @!p2 $0x0  }
0x16: {  	s3 =	sld [smem:$0x3FDB];
	s0 =	simm.s32 @p2 $0x1  }
0x17: {  	s4 =	simm.s32 $0x1BF5;
	[smem:$0x3FBB] =	sst s0  }
0x18: {  	s0 =	sld [smem:$0x3F9E];
	_ =	swait.ge [sflag:s4], $0x0  }
0x19: {  	s7 =	sld [smem:$0x3F9F]  }
0x1a: {  	s8 =	sadd.s32 $0xFFFFE003, lr  }
0x1b: {  	s9 =	sadd.s32 $0xFFFFFEF7, lr;
	s5 =	simm.s32 $0xFFFFFFFF;
	p2 =	slt.u32 s8, $0xFFFFF086  }
0x1c: {  	p1 =	slt.u32 s9, $0xF7A;
	s5 =	simm.s32 @!p2 $0x0  }
0x1d: {  	s5 =	simm.s32 @p1 $0x1;
	p0 =	seq.s32 s7, s2  }
0x1e: {  	s7 =	smul.u32 @!p0 $0xF7A, s2;
	p2 =	seq.s32 @!p0 s5, $0x0  }
0x1f: {  	s9 =	smul.u32 $0xF7A, s1;
	s8 =	simm.s32 @!p0 $0x1BF5;
	p2 =	por !p2, p0  }
0x20: {  	[sflag:s8] =	ssyncset.s32 @!p0 $0xFFFFF086;
	s6 =	sadd.s32 @!p0 s3, s7;
	s7 =	simm.s32 @!p0 $0x108  }
0x21: {  	s3 =	sadd.s32 s3, s9;
	s6 =	sadd.s32 @!p0 $0x88, s6;
	s7 =	simm.s32 @p2 $0x1082  }
0x22: {  	[simem:s7], [sflag:s8] =	dma.local @!p0 [hbm:s6], $0xF7A  }
0x23: {  	s9 =	sor.u32 $0xD0000000, s2;
	s6 =	simm.s32 $0x108;
	_ =	swait.ge @!p0 [sflag:s8], $0x0  }
0x24: {  	s3 =	sadd.s32 $0x88, s3;
	s6 =	simm.s32 @!p1 $0x1082;
	[sflag:s4] =	ssyncset.s32 $0xFFFFF086  }
0x25: {  	[simem:s6], [sflag:s4] =	dma.local [hbm:s3], $0xF7A  }
0x26: {  	[smem:$0x3F9F] =	sst s1;
	(tag) =	ssettag s2;
	_ =	strace s9  }
0x27: {  	s1 =	sld [smem:$0x3FAF]  }
0x28: {  	s2 =	sld [smem:$0x3FB0]  }
0x29: {  	s4 =	sld [smem:$0x3FB2]  }
0x2a: {  	p0 =	seq.s32 s5, $0x0;
	s5 =	sld [smem:$0x3FB3]  }
0x2b: {  	s6 =	sld [smem:$0x3FB4]  }
0x2c: {  	s7 =	sld [smem:$0x3FB5]  }
0x2d: {  	s3 =	simm.s32 $0x108;
	s8 =	sld [smem:$0x3FB6]  }
0x2e: {  	s3 =	simm.s32 @!p0 $0x1082;
	s9 =	sld [smem:$0x3FB7]  }
0x2f: {  	lr =	sadd.s32 s0, s3;
	s0 =	sld [smem:$0x3FAE]  }
0x30: {  	s3 =	sld [smem:$0x3FB1]  }
0x31: {  	[smem:$0x3FBA] =	sst s10  }
0x32: {  	s10 =	sld [smem:$0x3FB8];
	_ =	sdelay $0x3  }
0x33: {  	p0 =	seq.s32 s10, $0x1;
	s10 =	sld [smem:$0x3FBA];
	_ =	sdelay $0x3  }
0x34: {  	[smem:$0x3FBA] =	sst s10  }
0x35: {  	s10 =	sld [smem:$0x3FB9];
	_ =	sdelay $0x3  }
0x36: {  	p1 =	seq.s32 s10, $0x1;
	s10 =	sld [smem:$0x3FBA];
	_ =	sdelay $0x3  }
0x37: {  	[smem:$0x3FBA] =	sst s10  }
0x38: {  	s10 =	sld [smem:$0x3FBB]  }
0x39: {  	_ = 	snop;
	(pc) =	sbr.ind lr, $3  }
0x3a: {  	_ = 	snop  }
0x3b: {  	_ = 	snop  }
0x3c: {  	p2 =	seq.s32 s10, $0x1;
	s10 =	sld [smem:$0x3FBA]  }
0x3d: {  	_ =	shalt  }
0x3e: {  	_ =	shalt  }
0x3f: {  	_ =	shalt  }
0x40: {  	_ =	shalt  }
0x41: {  	_ =	shalt  }
0x42: {  	_ =	shalt  }
0x43: {  	_ =	shalt  }
0x44: {  	_ =	shalt  }
0x45: {  	_ =	shalt  }
0x46: {  	_ =	shalt  }
0x47: {  	_ =	shalt  }
0x48: {  	_ =	shalt  }
0x49: {  	_ =	shalt  }
0x4a: {  	_ =	shalt  }
0x4b: {  	_ =	shalt  }
0x4c: {  	_ =	shalt  }
0x4d: {  	_ =	shalt  }
0x4e: {  	_ =	shalt  }
0x4f: {  	_ =	shalt  }
0x50: {  	_ =	shalt  }
0x51: {  	_ =	shalt  }
0x52: {  	_ =	shalt  }
0x53: {  	_ =	shalt  }
0x54: {  	_ =	shalt  }
0x55: {  	_ =	shalt  }
0x56: {  	_ =	shalt  }
0x57: {  	_ =	shalt  }
0x58: {  	_ =	shalt  }
0x59: {  	_ =	shalt  }
0x5a: {  	_ =	shalt  }
0x5b: {  	_ =	shalt  }
0x5c: {  	_ =	shalt  }
0x5d: {  	_ =	shalt  }
0x5e: {  	_ =	shalt  }
0x5f: {  	_ =	shalt  }
0x60: {  	_ =	shalt  }
0x61: {  	_ =	shalt  }
0x62: {  	_ =	shalt  }
0x63: {  	_ =	shalt  }
0x64: {  	_ =	shalt  }
0x65: {  	_ =	shalt  }
0x66: {  	_ =	shalt  }
0x67: {  	_ =	shalt  }
0x68: {  	_ =	shalt  }
0x69: {  	_ =	shalt  }
0x6a: {  	_ =	shalt  }
0x6b: {  	_ =	shalt  }
0x6c: {  	_ =	shalt  }
0x6d: {  	_ =	shalt  }
0x6e: {  	_ =	shalt  }
0x6f: {  	_ =	shalt  }
0x70: {  	_ =	shalt  }
0x71: {  	_ =	shalt  }
0x72: {  	_ =	shalt  }
0x73: {  	_ =	shalt  }
0x74: {  	_ =	shalt  }
0x75: {  	_ =	shalt  }
0x76: {  	_ =	shalt  }
0x77: {  	_ =	shalt  }
0x78: {  	_ =	shalt  }
0x79: {  	_ =	shalt  }
0x7a: {  	_ =	shalt  }
0x7b: {  	_ =	shalt  }
0x7c: {  	_ =	shalt  }
0x7d: {  	_ =	shalt  }
0x7e: {  	_ =	shalt  }
0x7f: {  	_ =	shalt  }
0x80: {  	_ =	shalt  }
0x81: {  	_ =	shalt  }
0x82: {  	_ =	shalt  }
0x83: {  	_ =	shalt  }
0x84: {  	_ =	shalt  }
0x85: {  	_ =	shalt  }
0x86: {  	_ =	shalt  }
0x87: {  	_ =	shalt  }
.Lfunc_end0:
.L_simem_size_0:
called_computation_lowered:
.L_overlay_start_0:
0x88: {  	s2 =	sld [smem:$0x3FD9]  }
0x89: {  	s3 =	sld [smem:$0x3FFE];
	_ =	sdelay $0x1  }
0x8a: {  	s1 =	srdreg.scid  }
0x8b: {  	s0 =	sand.u32 $0x1, s1  }
0x8c: {  	s18 =	sshll.u32 s0, $0xA;
	s2 =	sadd.s32 s3, s2  }
0x8d: {  	s2 =	sadd.s32 s2, s18  }
0x8e: {  	[smem:$0x3FC6] =	sst s2  }
0x8f: {  	_ = 	snop  }
0x90: {  	s2 =	sld [smem:$0x3FC9]  }
0x91: {  	s19 =	sld [smem:$0x3FC8]  }
0x92: {  	s4 =	sld [smem:$0x3FD0];
	(tm) =	ssettm $0x1  }
0x93: {  	s5 =	sld [smem:$0x3FFB];
	_ =	sdelay $0x3  }
0x94: {  	_ =	strace s5  }
0x95: {  	s5 =	sld [smem:$0x3FFC];
	_ =	sdelay $0x3  }
0x96: {  	_ =	strace s5  }
0x97: {  	s5 =	sld [smem:$0x3FFD];
	_ =	sdelay $0x3  }
0x98: {  	_ =	strace s5  }
0x99: {  	_ =	strace $0x8FFFFFFF  }
0x9a: {  	s20 =	sld [smem:$0x3FDB];
	_ =	sdelay $0x1  }
0x9b: {  	s6 =	simm.s32 $_scs_section_size  }
0x9c: {  	s7 =	simm.s32 $_size__tile_overlayer_lowered;
	s8 =	simm.s32 $_tile_overlayer_lowered  }
0x9d: {  	s23 =	simm.s32 $0x1BFF;
	s22 =	sshll.u32 s8, $0x1;
	s5 =	sadd.s32 s6, s20  }
0x9e: {  	s9 =	simm.s32 $0x0;
	s21 =	sshll.u32 s7, $0x1;
	s7 =	sadd.s32 s22, s5  }
0x9f: {  	[timem:s9], [sflag:s23] =	dma.local [hbm:s7], s21  }
0xa0: {  	_ =	swait.ge [sflag:s23], s21  }
0xa1: {  	s6 =	ssub.s32 $0x0, s21;
	[sflag:s23] =	ssyncset.done $0x0  }
0xa2: {  	[sflag:s23] =	ssyncadd.s32 s6;
	_ =	sdelay $0x1  }
0xa3: {  	s24 =	simm.s32 $0x1B8B  }
0xa4: {  	_ =	swait.ge [sflag:s24], $0x1  }
0xa5: {  	[sflag:s24] =	ssyncset.done $0x0  }
0xa6: {  	s25 =	simm.s32 $0x1B8E;
	[sflag:s24] =	ssyncadd.s32 $0xFFFFFFFF  }
0xa7: {  	s26 =	simm.s32 $execute0_lowered;
	[smem:$0x3FD2] =	sst s25  }
0xa8: {  	s6 =	sshll.u32 s26, $0x1;
	_ =	strace $0x80000046;
	[dreg:$0x1] =	wrdreg $0xFFFFFFFF  }
0xa9: {  	s28 =	simm.s32 $_size_execute0_lowered;
	s5 =	sadd.s32 s5, s6;
	[dreg:$0x0] =	wrdreg $0x0  }
0xaa: {  	s6 =	sshll.u32 s28, $0x1;
	[dreg:$0x2] =	wrdreg s5  }
0xab: {  	[dreg:$0x3] =	wrdreg s6  }
0xac: {  	[dreg:$0x4] =	wrdreg $0xC0  }
0xad: {  	_ =	task [dreg:s9], $0x5FFFF  }
0xae: {  	[dreg:$0x1] =	wrdreg $0xFFFFFFFF  }
0xaf: {  	[dreg:$0x0] =	wrdreg $0x60  }
0xb0: {  	[dreg:$0x2] =	wrdreg s2  }
0xb1: {  	[dreg:$0x3] =	wrdreg s19  }
0xb2: {  	[dreg:$0x4] =	wrdreg s4  }
0xb3: {  	[dreg:$0x5] =	wrdreg $0x9  }
0xb4: {  	_ =	task.clear_ibuf [dreg:s9], $0x6FFFF;
	_ =	strace $0x90000046  }
0xb5: {  	s29 =	simm.s32 $0x9;
	_ =	strace $0x80000048  }
0xb6: {  	_ =	swait.ge [sflag:s29], $0x1  }
0xb7: {  	[sflag:s29] =	ssyncadd.s32 $0xFFFFFFFF  }
0xb8: {  	_ =	strace $0x90000048  }
0xb9: {  	_ =	sfence  }
0xba: {  	s30 =	sld [smem:$0x0];
	_ =	sdelay $0x2  }
0xbb: {  	s31 =	sshll.u32 s1, $0xD;
	s1 =	sshrl.u32 s1, $0x2  }
0xbc: {  	s3 =	sand.u32 $0x4000, s31;
	s1 =	sadd.s32 s1, s30  }
0xbd: {  	s0 =	sor.u32 s3, s0;
	s1 =	sshll.u32 s1, $0x11  }
0xbe: {  	s0 =	sor.u32 s1, s0  }
0xbf: {  	s0 =	sadd.s32 $0x8F2B, s0  }
0xc0: {  	[sflag:s0] =	ssyncadd.remote.s32 $0x1  }
0xc1: {  	_ =	sfence.sel $0xFFFF  }
0xc2: {  	[dreg:$0x0] =	wrdreg $0xFFFFFFFF;
	(pc) =	sbr.abs _section_cstart, $3  }
0xc3: {  	[dreg:$0x1] =	wrdreg $0xFFFFFFFF  }
0xc4: {  	_ =	task.clear_ibuf [dreg:s9], $0x2FFFF;
	_ =	strace $0x9FFFFFFF  }
0xc5: {  	(tm) =	ssettm $0x7FFFFFFF  }
tec
execute0_lowered:
.L_overlay_start_1:
0x0: {  	(tag) =	ssettag $0x1  }
0x1: {  	s1 =	rddreg [dreg:$0x0];
	s0 =	srdreg.scid  }
0x2: {  	s4 =	stileid.u32;
	s2 =	rddreg [dreg:$0x1];
	s23 =	simm.s32 $0x0  }
0x3: {  	s14 =	simm.s32 $0x80;
	s16 =	simm.s32 $0xF;
	s17 =	simm.s32 $0x10000  }
0x4: {  	s15 =	simm.s32 $0xA;
	s18 =	simm.s32 $0xB;
	s20 =	simm.s32 $0xC  }
0x5: {  	s22 =	simm.s32 $0xD;
	s29 =	simm.s32 $0x9;
	s0 =	sand.u32 $0x1, s0  }
0x6: {  	s3 =	sshll.u32 s4, $0x8;
	s4 =	sshll.u32 s4, $0xC;
	[smem:$0x7FF] =	sst s23  }
0x7: {  	s5 =	sshll.u32 s0, $0x7;
	s6 =	sand.u32 $0x300, s3;
	s0 =	ssub.s32 $0x2, s0  }
0x8: {  	s4 =	sand.u32 $0xC000, s4;
	s5 =	sor.u32 s5, s6;
	s7 =	sshrl.u32 s0, $0x1  }
0x9: {  	s3 =	rddreg [dreg:$0x2];
	s5 =	sor.u32 s4, s5;
	s0 =	ssub.s32 s0, s7  }
0xa: {  	_ =	strace $0x80000047;
	s4 =	sshrl.u32 s5, $0x3;
	s0 =	smax.u32 s0, $0x1  }
0xb: {  	s6 =	sadd.s32 s1, s4;
	s2 =	sadd.s32 s2, s4;
	[dreg:$0x5] =	wrdreg s0  }
0xc: {  	s30 =	simm.s32 $0x0;
	[dreg:$0x4] =	wrdreg s2;
	s8 =	sadd.s32 $0x10000, s6  }
0xd: {  	s9 =	sadd.s32 $0x20000, s6;
	s10 =	sadd.s32 $0x30000, s6;
	s24 =	sadd.s32 $0x80, s6  }
0xe: {  	s11 =	sadd.s32 $0x40000, s6;
	s25 =	sadd.s32 $0x100, s6;
	[dreg:$0x6] =	wrdreg s24  }
0xf: {  	s12 =	sadd.s32 $0x50000, s6;
	s26 =	sadd.s32 $0x180, s6;
	[dreg:$0x7] =	wrdreg s25  }
0x10: {  	s31 =	sadd.s32 $0x200, s6;
	s28 =	sadd.s32 $0x280, s6;
	[dreg:$0x8] =	wrdreg s26  }
0x11: {  	[dreg:$0x9] =	wrdreg s31;
	s24 =	simm.s32 $0xE;
	s26 =	simm.s32 $0x8  }
.LBB2_1:
0x12: {  	s0 =	simm.s32 $0x0;
	s2 =	rddreg [dreg:$0x4];
	s4 =	simm.s32 $0x400  }
0x13: {  	[tilespmem:s0], [sflag:$0xF] =	stream.strided.gather [hbm4b:s2+s14], $0x800, s4, s14, $0x38;
	[tilespmem:$0x1C800] =	vst v63  }
0x14: {  	_ =	swait.ge [sflag:s16], $0x800  }
0x15: {  	[sflag:s16] =	ssyncset.done $0x0  }
0x16: {  	s4 =	simm.s32 $0x800;
	[sflag:s16] =	ssyncadd.s32 $0xFFFFF800  }
0x17: {  	[tilespmem:s4], [sflag:$0x1] =	stream.strided.gather [hbm4b:s6+s14], $0x400, s17, s14, $0x38;
	[tilespmem:$0x1C800] =	vst v63  }
0x18: {  	s13 =	simm.s32 $0xC00;
	s7 =	rddreg [dreg:$0x6]  }
0x19: {  	[tilespmem:s13], [sflag:$0x1] =	stream.strided.gather [hbm4b:s7+s14], $0x400, s17, s14, $0x38;
	[tilespmem:$0x1C800] =	vst v63  }
0x1a: {  	s21 =	simm.s32 $0x1000;
	s19 =	rddreg [dreg:$0x7]  }
0x1b: {  	[tilespmem:s21], [sflag:$0x1] =	stream.strided.gather [hbm4b:s19+s14], $0x400, s17, s14, $0x38;
	[tilespmem:$0x1C800] =	vst v63  }
0x1c: {  	s25 =	simm.s32 $0x1400;
	s23 =	rddreg [dreg:$0x8]  }
0x1d: {  	[tilespmem:s25], [sflag:$0x1] =	stream.strided.gather [hbm4b:s23+s14], $0x400, s17, s14, $0x38;
	[tilespmem:$0x1C800] =	vst v63  }
0x1e: {  	s4 =	rddreg [dreg:$0x9];
	s7 =	simm.s32 $0x1800  }
0x1f: {  	[tilespmem:s7], [sflag:$0x1] =	stream.strided.gather [hbm4b:s4+s14], $0x400, s17, s14, $0x38;
	[tilespmem:$0x1C800] =	vst v63  }
0x20: {  	s13 =	simm.s32 $0x1C00  }
0x21: {  	[tilespmem:s13], [sflag:$0x1] =	stream.strided.gather [hbm4b:s28+s14], $0x400, s17, s14, $0x38;
	[tilespmem:$0x1C800] =	vst v63  }
0x22: {  	s19 =	sadd.s32 $0x300, s6;
	s21 =	simm.s32 $0x2000  }
0x23: {  	[tilespmem:s21], [sflag:$0x1] =	stream.strided.gather [hbm4b:s19+s14], $0x400, s17, s14, $0x38;
	[tilespmem:$0x1C800] =	vst v63  }
0x24: {  	s23 =	sadd.s32 $0x380, s6;
	s25 =	simm.s32 $0x2400  }
0x25: {  	[tilespmem:s25], [sflag:$0x1] =	stream.strided.gather [hbm4b:s23+s14], $0x400, s17, s14, $0x38;
	[tilespmem:$0x1C800] =	vst v63  }
0x26: {  	s2 =	sadd.s32 $0x400, s6;
	s4 =	simm.s32 $0x2800  }
0x27: {  	[tilespmem:s4], [sflag:$0x1] =	stream.strided.gather [hbm4b:s2+s14], $0x400, s17, s14, $0x38;
	[tilespmem:$0x1C800] =	vst v63  }
0x28: {  	s7 =	sadd.s32 $0x480, s6;
	s13 =	simm.s32 $0x2C00  }
0x29: {  	[tilespmem:s13], [sflag:$0x1] =	stream.strided.gather [hbm4b:s7+s14], $0x400, s17, s14, $0x38;
	[tilespmem:$0x1C800] =	vst v63  }
0x2a: {  	s19 =	sadd.s32 $0x500, s6;
	s21 =	simm.s32 $0x3000  }
0x2b: {  	[tilespmem:s21], [sflag:$0x1] =	stream.strided.gather [hbm4b:s19+s14], $0x400, s17, s14, $0x38;
	[tilespmem:$0x1C800] =	vst v63  }
0x2c: {  	s23 =	sadd.s32 $0x580, s6;
	s25 =	simm.s32 $0x3400  }
0x2d: {  	[tilespmem:s25], [sflag:$0x1] =	stream.strided.gather [hbm4b:s23+s14], $0x400, s17, s14, $0x38;
	[tilespmem:$0x1C800] =	vst v63  }
0x2e: {  	s2 =	sadd.s32 $0x600, s6;
	s4 =	simm.s32 $0x3800  }
0x2f: {  	[tilespmem:s4], [sflag:$0x1] =	stream.strided.gather [hbm4b:s2+s14], $0x400, s17, s14, $0x38;
	[tilespmem:$0x1C800] =	vst v63  }
0x30: {  	s7 =	sadd.s32 $0x680, s6;
	s13 =	simm.s32 $0x3C00  }
0x31: {  	[tilespmem:s13], [sflag:$0x1] =	stream.strided.gather [hbm4b:s7+s14], $0x400, s17, s14, $0x38;
	[tilespmem:$0x1C800] =	vst v63  }
0x32: {  	s19 =	sadd.s32 $0x700, s6;
	s21 =	simm.s32 $0x4000  }
0x33: {  	[tilespmem:s21], [sflag:$0x1] =	stream.strided.gather [hbm4b:s19+s14], $0x400, s17, s14, $0x38;
	[tilespmem:$0x1C800] =	vst v63  }
0x34: {  	s23 =	sadd.s32 $0x780, s6;
	s25 =	simm.s32 $0x4400  }
0x35: {  	[tilespmem:s25], [sflag:$0x1] =	stream.strided.gather [hbm4b:s23+s14], $0x400, s17, s14, $0x38;
	[tilespmem:$0x1C800] =	vst v63  }
0x36: {  	s4 =	simm.s32 $0x4800  }
0x37: {  	[tilespmem:s4], [sflag:$0x2] =	stream.strided.gather [hbm4b:s8+s14], $0x400, s17, s14, $0x38;
	[tilespmem:$0x1C800] =	vst v63  }
0x38: {  	s7 =	sadd.s32 $0x80, s8;
	s13 =	simm.s32 $0x4C00  }
0x39: {  	[tilespmem:s13], [sflag:$0x2] =	stream.strided.gather [hbm4b:s7+s14], $0x400, s17, s14, $0x38;
	[tilespmem:$0x1C800] =	vst v63  }
0x3a: {  	s19 =	sadd.s32 $0x100, s8;
	s21 =	simm.s32 $0x5000  }
0x3b: {  	[tilespmem:s21], [sflag:$0x2] =	stream.strided.gather [hbm4b:s19+s14], $0x400, s17, s14, $0x38;
	[tilespmem:$0x1C800] =	vst v63  }
0x3c: {  	s23 =	sadd.s32 $0x180, s8;
	s25 =	simm.s32 $0x5400  }
0x3d: {  	[tilespmem:s25], [sflag:$0x2] =	stream.strided.gather [hbm4b:s23+s14], $0x400, s17, s14, $0x38;
	[tilespmem:$0x1C800] =	vst v63  }
0x3e: {  	s2 =	sadd.s32 $0x200, s8;
	s4 =	simm.s32 $0x5800  }
0x3f: {  	[tilespmem:s4], [sflag:$0x2] =	stream.strided.gather [hbm4b:s2+s14], $0x400, s17, s14, $0x38;
	[tilespmem:$0x1C800] =	vst v63  }
0x40: {  	s7 =	sadd.s32 $0x280, s8;
	s13 =	simm.s32 $0x5C00  }
0x41: {  	[tilespmem:s13], [sflag:$0x2] =	stream.strided.gather [hbm4b:s7+s14], $0x400, s17, s14, $0x38;
	[tilespmem:$0x1C800] =	vst v63  }
0x42: {  	s19 =	sadd.s32 $0x300, s8;
	s21 =	simm.s32 $0x6000  }
0x43: {  	[tilespmem:s21], [sflag:$0x2] =	stream.strided.gather [hbm4b:s19+s14], $0x400, s17, s14, $0x38;
	[tilespmem:$0x1C800] =	vst v63  }
0x44: {  	s23 =	sadd.s32 $0x380, s8;
	s25 =	simm.s32 $0x6400  }
0x45: {  	[tilespmem:s25], [sflag:$0x2] =	stream.strided.gather [hbm4b:s23+s14], $0x400, s17, s14, $0x38;
	[tilespmem:$0x1C800] =	vst v63  }
0x46: {  	s2 =	sadd.s32 $0x400, s8;
	s4 =	simm.s32 $0x6800  }
0x47: {  	[tilespmem:s4], [sflag:$0x2] =	stream.strided.gather [hbm4b:s2+s14], $0x400, s17, s14, $0x38;
	[tilespmem:$0x1C800] =	vst v63  }
0x48: {  	s7 =	sadd.s32 $0x480, s8;
	s13 =	simm.s32 $0x6C00  }
0x49: {  	[tilespmem:s13], [sflag:$0x2] =	stream.strided.gather [hbm4b:s7+s14], $0x400, s17, s14, $0x38;
	[tilespmem:$0x1C800] =	vst v63  }
0x4a: {  	s19 =	sadd.s32 $0x500, s8;
	s21 =	simm.s32 $0x7000  }
0x4b: {  	[tilespmem:s21], [sflag:$0x2] =	stream.strided.gather [hbm4b:s19+s14], $0x400, s17, s14, $0x38;
	[tilespmem:$0x1C800] =	vst v63  }
0x4c: {  	s23 =	sadd.s32 $0x580, s8;
	s25 =	simm.s32 $0x7400  }
0x4d: {  	[tilespmem:s25], [sflag:$0x2] =	stream.strided.gather [hbm4b:s23+s14], $0x400, s17, s14, $0x38;
	[tilespmem:$0x1C800] =	vst v63  }
0x4e: {  	s2 =	sadd.s32 $0x600, s8;
	s4 =	simm.s32 $0x7800  }
0x4f: {  	[tilespmem:s4], [sflag:$0x2] =	stream.strided.gather [hbm4b:s2+s14], $0x400, s17, s14, $0x38;
	[tilespmem:$0x1C800] =	vst v63  }
0x50: {  	s7 =	sadd.s32 $0x680, s8;
	s13 =	simm.s32 $0x7C00  }
0x51: {  	[tilespmem:s13], [sflag:$0x2] =	stream.strided.gather [hbm4b:s7+s14], $0x400, s17, s14, $0x38;
	[tilespmem:$0x1C800] =	vst v63  }
0x52: {  	s19 =	sadd.s32 $0x700, s8;
	s21 =	simm.s32 $0x8000  }
0x53: {  	[tilespmem:s21], [sflag:$0x2] =	stream.strided.gather [hbm4b:s19+s14], $0x400, s17, s14, $0x38;
	[tilespmem:$0x1C800] =	vst v63  }
0x54: {  	s23 =	sadd.s32 $0x780, s8;
	s25 =	simm.s32 $0x8400  }
0x55: {  	[tilespmem:s25], [sflag:$0x2] =	stream.strided.gather [hbm4b:s23+s14], $0x400, s17, s14, $0x38;
	[tilespmem:$0x1C800] =	vst v63  }
0x56: {  	s4 =	simm.s32 $0x8800  }
0x57: {  	[tilespmem:s4], [sflag:$0x3] =	stream.strided.gather [hbm4b:s9+s14], $0x400, s17, s14, $0x38;
	[tilespmem:$0x1C800] =	vst v63  }
0x58: {  	s7 =	sadd.s32 $0x80, s9;
	s13 =	simm.s32 $0x8C00  }
0x59: {  	[tilespmem:s13], [sflag:$0x3] =	stream.strided.gather [hbm4b:s7+s14], $0x400, s17, s14, $0x38;
	[tilespmem:$0x1C800] =	vst v63  }
0x5a: {  	s19 =	sadd.s32 $0x100, s9;
	s21 =	simm.s32 $0x9000  }
0x5b: {  	[tilespmem:s21], [sflag:$0x3] =	stream.strided.gather [hbm4b:s19+s14], $0x400, s17, s14, $0x38;
	[tilespmem:$0x1C800] =	vst v63  }
0x5c: {  	s23 =	sadd.s32 $0x180, s9;
	s25 =	simm.s32 $0x9400  }
0x5d: {  	[tilespmem:s25], [sflag:$0x3] =	stream.strided.gather [hbm4b:s23+s14], $0x400, s17, s14, $0x38;
	[tilespmem:$0x1C800] =	vst v63  }
0x5e: {  	s2 =	sadd.s32 $0x200, s9;
	s4 =	simm.s32 $0x9800  }
0x5f: {  	[tilespmem:s4], [sflag:$0x3] =	stream.strided.gather [hbm4b:s2+s14], $0x400, s17, s14, $0x38;
	[tilespmem:$0x1C800] =	vst v63  }
0x60: {  	s7 =	sadd.s32 $0x280, s9;
	s13 =	simm.s32 $0x9C00  }
0x61: {  	[tilespmem:s13], [sflag:$0x3] =	stream.strided.gather [hbm4b:s7+s14], $0x400, s17, s14, $0x38;
	[tilespmem:$0x1C800] =	vst v63  }
0x62: {  	s19 =	sadd.s32 $0x300, s9;
	s21 =	simm.s32 $0xA000  }
0x63: {  	[tilespmem:s21], [sflag:$0x3] =	stream.strided.gather [hbm4b:s19+s14], $0x400, s17, s14, $0x38;
	[tilespmem:$0x1C800] =	vst v63  }
0x64: {  	s23 =	sadd.s32 $0x380, s9;
	s25 =	simm.s32 $0xA400  }
0x65: {  	[tilespmem:s25], [sflag:$0x3] =	stream.strided.gather [hbm4b:s23+s14], $0x400, s17, s14, $0x38;
	[tilespmem:$0x1C800] =	vst v63  }
0x66: {  	s2 =	sadd.s32 $0x400, s9;
	s4 =	simm.s32 $0xA800  }
0x67: {  	[tilespmem:s4], [sflag:$0x3] =	stream.strided.gather [hbm4b:s2+s14], $0x400, s17, s14, $0x38;
	[tilespmem:$0x1C800] =	vst v63  }
0x68: {  	s7 =	sadd.s32 $0x480, s9;
	s13 =	simm.s32 $0xAC00  }
0x69: {  	[tilespmem:s13], [sflag:$0x3] =	stream.strided.gather [hbm4b:s7+s14], $0x400, s17, s14, $0x38;
	[tilespmem:$0x1C800] =	vst v63  }
0x6a: {  	s19 =	sadd.s32 $0x500, s9;
	s21 =	simm.s32 $0xB000  }
0x6b: {  	[tilespmem:s21], [sflag:$0x3] =	stream.strided.gather [hbm4b:s19+s14], $0x400, s17, s14, $0x38;
	[tilespmem:$0x1C800] =	vst v63  }
0x6c: {  	s23 =	sadd.s32 $0x580, s9;
	s25 =	simm.s32 $0xB400  }
0x6d: {  	[tilespmem:s25], [sflag:$0x3] =	stream.strided.gather [hbm4b:s23+s14], $0x400, s17, s14, $0x38;
	[tilespmem:$0x1C800] =	vst v63  }
0x6e: {  	s2 =	sadd.s32 $0x600, s9;
	s4 =	simm.s32 $0xB800  }
0x6f: {  	[tilespmem:s4], [sflag:$0x3] =	stream.strided.gather [hbm4b:s2+s14], $0x400, s17, s14, $0x38;
	[tilespmem:$0x1C800] =	vst v63  }
0x70: {  	s7 =	sadd.s32 $0x680, s9;
	s13 =	simm.s32 $0xBC00  }
0x71: {  	[tilespmem:s13], [sflag:$0x3] =	stream.strided.gather [hbm4b:s7+s14], $0x400, s17, s14, $0x38;
	[tilespmem:$0x1C800] =	vst v63  }
0x72: {  	s19 =	sadd.s32 $0x700, s9;
	s21 =	simm.s32 $0xC000  }
0x73: {  	[tilespmem:s21], [sflag:$0x3] =	stream.strided.gather [hbm4b:s19+s14], $0x400, s17, s14, $0x38;
	[tilespmem:$0x1C800] =	vst v63  }
0x74: {  	s23 =	sadd.s32 $0x780, s9;
	s25 =	simm.s32 $0xC400  }
0x75: {  	[tilespmem:s25], [sflag:$0x3] =	stream.strided.gather [hbm4b:s23+s14], $0x400, s17, s14, $0x38;
	[tilespmem:$0x1C800] =	vst v63  }
0x76: {  	s4 =	simm.s32 $0xC800  }
0x77: {  	[tilespmem:s4], [sflag:$0x4] =	stream.strided.gather [hbm4b:s10+s14], $0x400, s17, s14, $0x38;
	[tilespmem:$0x1C800] =	vst v63  }
0x78: {  	s7 =	sadd.s32 $0x80, s10;
	s13 =	simm.s32 $0xCC00  }
0x79: {  	[tilespmem:s13], [sflag:$0x4] =	stream.strided.gather [hbm4b:s7+s14], $0x400, s17, s14, $0x38;
	[tilespmem:$0x1C800] =	vst v63  }
0x7a: {  	s19 =	sadd.s32 $0x100, s10;
	s21 =	simm.s32 $0xD000  }
0x7b: {  	[tilespmem:s21], [sflag:$0x4] =	stream.strided.gather [hbm4b:s19+s14], $0x400, s17, s14, $0x38;
	[tilespmem:$0x1C800] =	vst v63  }
0x7c: {  	s23 =	sadd.s32 $0x180, s10;
	s25 =	simm.s32 $0xD400  }
0x7d: {  	[tilespmem:s25], [sflag:$0x4] =	stream.strided.gather [hbm4b:s23+s14], $0x400, s17, s14, $0x38;
	[tilespmem:$0x1C800] =	vst v63  }
0x7e: {  	s2 =	sadd.s32 $0x200, s10;
	s4 =	simm.s32 $0xD800  }
0x7f: {  	[tilespmem:s4], [sflag:$0x4] =	stream.strided.gather [hbm4b:s2+s14], $0x400, s17, s14, $0x38;
	[tilespmem:$0x1C800] =	vst v63  }
0x80: {  	s7 =	sadd.s32 $0x280, s10;
	s13 =	simm.s32 $0xDC00  }
0x81: {  	[tilespmem:s13], [sflag:$0x4] =	stream.strided.gather [hbm4b:s7+s14], $0x400, s17, s14, $0x38;
	[tilespmem:$0x1C800] =	vst v63  }
0x82: {  	s19 =	sadd.s32 $0x300, s10;
	s21 =	simm.s32 $0xE000  }
0x83: {  	[tilespmem:s21], [sflag:$0x4] =	stream.strided.gather [hbm4b:s19+s14], $0x400, s17, s14, $0x38;
	[tilespmem:$0x1C800] =	vst v63  }
0x84: {  	s23 =	sadd.s32 $0x380, s10;
	s25 =	simm.s32 $0xE400  }
0x85: {  	[tilespmem:s25], [sflag:$0x4] =	stream.strided.gather [hbm4b:s23+s14], $0x400, s17, s14, $0x38;
	[tilespmem:$0x1C800] =	vst v63  }
0x86: {  	s2 =	sadd.s32 $0x400, s10;
	s4 =	simm.s32 $0xE800  }
0x87: {  	[tilespmem:s4], [sflag:$0x4] =	stream.strided.gather [hbm4b:s2+s14], $0x400, s17, s14, $0x38;
	[tilespmem:$0x1C800] =	vst v63  }
0x88: {  	s7 =	sadd.s32 $0x480, s10;
	s13 =	simm.s32 $0xEC00  }
0x89: {  	[tilespmem:s13], [sflag:$0x4] =	stream.strided.gather [hbm4b:s7+s14], $0x400, s17, s14, $0x38;
	[tilespmem:$0x1C800] =	vst v63  }
0x8a: {  	s19 =	sadd.s32 $0x500, s10;
	s21 =	simm.s32 $0xF000  }
0x8b: {  	[tilespmem:s21], [sflag:$0x4] =	stream.strided.gather [hbm4b:s19+s14], $0x400, s17, s14, $0x38;
	[tilespmem:$0x1C800] =	vst v63  }
0x8c: {  	s23 =	sadd.s32 $0x580, s10;
	s25 =	simm.s32 $0xF400  }
0x8d: {  	[tilespmem:s25], [sflag:$0x4] =	stream.strided.gather [hbm4b:s23+s14], $0x400, s17, s14, $0x38;
	[tilespmem:$0x1C800] =	vst v63  }
0x8e: {  	s4 =	sadd.s32 $0x600, s10;
	s7 =	simm.s32 $0xF800  }
0x8f: {  	[tilespmem:s7], [sflag:$0x4] =	stream.strided.gather [hbm4b:s4+s14], $0x400, s17, s14, $0x38;
	[tilespmem:$0x1C800] =	vst v63  }
0x90: {  	s13 =	sadd.s32 $0x680, s10;
	s19 =	simm.s32 $0xFC00  }
0x91: {  	[tilespmem:s19], [sflag:$0x4] =	stream.strided.gather [hbm4b:s13+s14], $0x400, s17, s14, $0x38;
	[tilespmem:$0x1C800] =	vst v63  }
0x92: {  	s21 =	sadd.s32 $0x700, s10  }
0x93: {  	[tilespmem:s17], [sflag:$0x4] =	stream.strided.gather [hbm4b:s21+s14], $0x400, s17, s14, $0x38;
	[tilespmem:$0x1C800] =	vst v63  }
0x94: {  	s23 =	sadd.s32 $0x780, s10;
	s25 =	simm.s32 $0x10400  }
0x95: {  	[tilespmem:s25], [sflag:$0x4] =	stream.strided.gather [hbm4b:s23+s14], $0x400, s17, s14, $0x38;
	[tilespmem:$0x1C800] =	vst v63  }
0x96: {  	s4 =	simm.s32 $0x10800  }
0x97: {  	[tilespmem:s4], [sflag:$0x5] =	stream.strided.gather [hbm4b:s11+s14], $0x400, s17, s14, $0x38;
	[tilespmem:$0x1C800] =	vst v63  }
0x98: {  	s7 =	sadd.s32 $0x80, s11;
	s13 =	simm.s32 $0x10C00  }
0x99: {  	[tilespmem:s13], [sflag:$0x5] =	stream.strided.gather [hbm4b:s7+s14], $0x400, s17, s14, $0x38;
	[tilespmem:$0x1C800] =	vst v63  }
0x9a: {  	s19 =	sadd.s32 $0x100, s11;
	s21 =	simm.s32 $0x11000  }
0x9b: {  	[tilespmem:s21], [sflag:$0x5] =	stream.strided.gather [hbm4b:s19+s14], $0x400, s17, s14, $0x38;
	[tilespmem:$0x1C800] =	vst v63  }
0x9c: {  	s23 =	sadd.s32 $0x180, s11;
	s25 =	simm.s32 $0x11400  }
0x9d: {  	[tilespmem:s25], [sflag:$0x5] =	stream.strided.gather [hbm4b:s23+s14], $0x400, s17, s14, $0x38;
	[tilespmem:$0x1C800] =	vst v63  }
0x9e: {  	s2 =	sadd.s32 $0x200, s11;
	s4 =	simm.s32 $0x11800  }
0x9f: {  	[tilespmem:s4], [sflag:$0x5] =	stream.strided.gather [hbm4b:s2+s14], $0x400, s17, s14, $0x38;
	[tilespmem:$0x1C800] =	vst v63  }
0xa0: {  	s7 =	sadd.s32 $0x280, s11;
	s13 =	simm.s32 $0x11C00  }
0xa1: {  	[tilespmem:s13], [sflag:$0x5] =	stream.strided.gather [hbm4b:s7+s14], $0x400, s17, s14, $0x38;
	[tilespmem:$0x1C800] =	vst v63  }
0xa2: {  	s19 =	sadd.s32 $0x300, s11;
	s21 =	simm.s32 $0x12000  }
0xa3: {  	[tilespmem:s21], [sflag:$0x5] =	stream.strided.gather [hbm4b:s19+s14], $0x400, s17, s14, $0x38;
	[tilespmem:$0x1C800] =	vst v63  }
0xa4: {  	s23 =	sadd.s32 $0x380, s11;
	s25 =	simm.s32 $0x12400  }
0xa5: {  	[tilespmem:s25], [sflag:$0x5] =	stream.strided.gather [hbm4b:s23+s14], $0x400, s17, s14, $0x38;
	[tilespmem:$0x1C800] =	vst v63  }
0xa6: {  	s2 =	sadd.s32 $0x400, s11;
	s4 =	simm.s32 $0x12800  }
0xa7: {  	[tilespmem:s4], [sflag:$0x5] =	stream.strided.gather [hbm4b:s2+s14], $0x400, s17, s14, $0x38;
	[tilespmem:$0x1C800] =	vst v63  }
0xa8: {  	s7 =	sadd.s32 $0x480, s11;
	s13 =	simm.s32 $0x12C00  }
0xa9: {  	[tilespmem:s13], [sflag:$0x5] =	stream.strided.gather [hbm4b:s7+s14], $0x400, s17, s14, $0x38;
	[tilespmem:$0x1C800] =	vst v63  }
0xaa: {  	s19 =	sadd.s32 $0x500, s11;
	s21 =	simm.s32 $0x13000  }
0xab: {  	[tilespmem:s21], [sflag:$0x5] =	stream.strided.gather [hbm4b:s19+s14], $0x400, s17, s14, $0x38;
	[tilespmem:$0x1C800] =	vst v63  }
0xac: {  	s23 =	sadd.s32 $0x580, s11;
	s25 =	simm.s32 $0x13400  }
0xad: {  	[tilespmem:s25], [sflag:$0x5] =	stream.strided.gather [hbm4b:s23+s14], $0x400, s17, s14, $0x38;
	[tilespmem:$0x1C800] =	vst v63  }
0xae: {  	s2 =	sadd.s32 $0x600, s11;
	s4 =	simm.s32 $0x13800  }
0xaf: {  	[tilespmem:s4], [sflag:$0x5] =	stream.strided.gather [hbm4b:s2+s14], $0x400, s17, s14, $0x38;
	[tilespmem:$0x1C800] =	vst v63  }
0xb0: {  	s7 =	sadd.s32 $0x680, s11;
	s13 =	simm.s32 $0x13C00  }
0xb1: {  	[tilespmem:s13], [sflag:$0x5] =	stream.strided.gather [hbm4b:s7+s14], $0x400, s17, s14, $0x38;
	[tilespmem:$0x1C800] =	vst v63  }
0xb2: {  	s19 =	sadd.s32 $0x700, s11;
	s21 =	simm.s32 $0x14000  }
0xb3: {  	[tilespmem:s21], [sflag:$0x5] =	stream.strided.gather [hbm4b:s19+s14], $0x400, s17, s14, $0x38;
	[tilespmem:$0x1C800] =	vst v63  }
0xb4: {  	s23 =	sadd.s32 $0x780, s11;
	s25 =	simm.s32 $0x14400  }
0xb5: {  	[tilespmem:s25], [sflag:$0x5] =	stream.strided.gather [hbm4b:s23+s14], $0x400, s17, s14, $0x38;
	[tilespmem:$0x1C800] =	vst v63  }
0xb6: {  	s4 =	simm.s32 $0x14800  }
0xb7: {  	[tilespmem:s4], [sflag:$0x6] =	stream.strided.gather [hbm4b:s12+s14], $0x400, s17, s14, $0x38;
	[tilespmem:$0x1C800] =	vst v63  }
0xb8: {  	s7 =	sadd.s32 $0x80, s12;
	s13 =	simm.s32 $0x14C00  }
0xb9: {  	[tilespmem:s13], [sflag:$0x6] =	stream.strided.gather [hbm4b:s7+s14], $0x400, s17, s14, $0x38;
	[tilespmem:$0x1C800] =	vst v63  }
0xba: {  	s19 =	sadd.s32 $0x100, s12;
	s21 =	simm.s32 $0x15000  }
0xbb: {  	[tilespmem:s21], [sflag:$0x6] =	stream.strided.gather [hbm4b:s19+s14], $0x400, s17, s14, $0x38;
	[tilespmem:$0x1C800] =	vst v63  }
0xbc: {  	s23 =	sadd.s32 $0x180, s12;
	s25 =	simm.s32 $0x15400  }
0xbd: {  	[tilespmem:s25], [sflag:$0x6] =	stream.strided.gather [hbm4b:s23+s14], $0x400, s17, s14, $0x38;
	[tilespmem:$0x1C800] =	vst v63  }
0xbe: {  	s2 =	sadd.s32 $0x200, s12;
	s4 =	simm.s32 $0x15800  }
0xbf: {  	[tilespmem:s4], [sflag:$0x6] =	stream.strided.gather [hbm4b:s2+s14], $0x400, s17, s14, $0x38;
	[tilespmem:$0x1C800] =	vst v63  }
0xc0: {  	s7 =	sadd.s32 $0x280, s12;
	s13 =	simm.s32 $0x15C00  }
0xc1: {  	[tilespmem:s13], [sflag:$0x6] =	stream.strided.gather [hbm4b:s7+s14], $0x400, s17, s14, $0x38;
	[tilespmem:$0x1C800] =	vst v63  }
0xc2: {  	s19 =	sadd.s32 $0x300, s12;
	s21 =	simm.s32 $0x16000  }
0xc3: {  	[tilespmem:s21], [sflag:$0x6] =	stream.strided.gather [hbm4b:s19+s14], $0x400, s17, s14, $0x38;
	[tilespmem:$0x1C800] =	vst v63  }
0xc4: {  	s23 =	sadd.s32 $0x380, s12;
	s25 =	simm.s32 $0x16400  }
0xc5: {  	[tilespmem:s25], [sflag:$0x6] =	stream.strided.gather [hbm4b:s23+s14], $0x400, s17, s14, $0x38;
	[tilespmem:$0x1C800] =	vst v63  }
0xc6: {  	s2 =	sadd.s32 $0x400, s12;
	s4 =	simm.s32 $0x16800  }
0xc7: {  	[tilespmem:s4], [sflag:$0x6] =	stream.strided.gather [hbm4b:s2+s14], $0x400, s17, s14, $0x38;
	[tilespmem:$0x1C800] =	vst v63  }
0xc8: {  	s7 =	sadd.s32 $0x480, s12;
	s13 =	simm.s32 $0x16C00  }
0xc9: {  	[tilespmem:s13], [sflag:$0x6] =	stream.strided.gather [hbm4b:s7+s14], $0x400, s17, s14, $0x38;
	[tilespmem:$0x1C800] =	vst v63  }
0xca: {  	s19 =	sadd.s32 $0x500, s12;
	s21 =	simm.s32 $0x17000  }
0xcb: {  	[tilespmem:s21], [sflag:$0x6] =	stream.strided.gather [hbm4b:s19+s14], $0x400, s17, s14, $0x38;
	[tilespmem:$0x1C800] =	vst v63  }
0xcc: {  	s23 =	sadd.s32 $0x580, s12;
	s25 =	simm.s32 $0x17400  }
0xcd: {  	[tilespmem:s25], [sflag:$0x6] =	stream.strided.gather [hbm4b:s23+s14], $0x400, s17, s14, $0x38;
	[tilespmem:$0x1C800] =	vst v63  }
0xce: {  	s2 =	sadd.s32 $0x600, s12;
	s4 =	simm.s32 $0x17800  }
0xcf: {  	[tilespmem:s4], [sflag:$0x6] =	stream.strided.gather [hbm4b:s2+s14], $0x400, s17, s14, $0x38;
	[tilespmem:$0x1C800] =	vst v63  }
0xd0: {  	s7 =	sadd.s32 $0x680, s12;
	s13 =	simm.s32 $0x17C00  }
0xd1: {  	[tilespmem:s13], [sflag:$0x6] =	stream.strided.gather [hbm4b:s7+s14], $0x400, s17, s14, $0x38;
	[tilespmem:$0x1C800] =	vst v63  }
0xd2: {  	s19 =	sadd.s32 $0x700, s12;
	s21 =	simm.s32 $0x18000  }
0xd3: {  	[tilespmem:s21], [sflag:$0x6] =	stream.strided.gather [hbm4b:s19+s14], $0x400, s17, s14, $0x38;
	[tilespmem:$0x1C800] =	vst v63  }
0xd4: {  	s31 =	simm.s32 $0x0;
	s23 =	sadd.s32 $0x780, s12;
	s25 =	simm.s32 $0x18400  }
0xd5: {  	[tilespmem:s25], [sflag:$0x6] =	stream.strided.gather [hbm4b:s23+s14], $0x400, s17, s14, $0x38;
	[tilespmem:$0x1C800] =	vst v63  }
.LBB2_2:
0xd6: {  	s0 =	smul.u32 $0x25, s31;
	_ =	sdelay $0x1  }
0xd7: {  	s0 =	sshrl.u32 s0, $0x8  }
0xd8: {  	s2 =	ssub.s32 s31, s0  }
0xd9: {  	s2 =	sand.u32 $0xFE, s2  }
0xda: {  	s2 =	sshrl.u32 s2, $0x1  }
0xdb: {  	s0 =	sadd.s32 s0, s2  }
0xdc: {  	s0 =	sand.u32 $0xFC, s0  }
0xdd: {  	s0 =	sshrl.u32 s0, $0x2  }
0xde: {  	s0 =	smul.u32 $0x7, s0;
	_ =	sdelay $0x1  }
0xdf: {  	s0 =	ssub.s32 s31, s0  }
0xe0: {  	s0 =	sand.u32 $0xFF, s0  }
0xe1: {  	s25 =	sadd.s32 $0x1, s0  }
0xe2: {  	_ =	swait.ge [sflag:s25], $0x4000  }
0xe3: {  	[sflag:s25] =	ssyncset.done $0x0  }
0xe4: {  	s7 =	simm.s32 $0x0;
	[sflag:s25] =	ssyncadd.s32 $0xFFFFC000  }
0xe5: {  	v0 =	vld [tilespmem:s7+$0x0]  }
0xe6: {  	s2 =	sshll.u32 s0, $0xE  }
0xe7: {  	s19 =	simm.s32 $0x0;
	s13 =	sand.u32 $0x3C00, s7;
	s4 =	sor.u32 $0x800, s2  }
0xe8: {  	s21 =	sand.u32 $0x70, s19;
	s13 =	sadd.s32 s13, s4  }
0xe9: {  	s13 =	sadd.s32 s21, s13  }
0xea: {  	[tilespmem:s13+$0x380] =	vst.add.f32.msk $0xffff, v0  }
0xeb: {  	[tilespmem:s13+$0x0] =	vst.add.f32.msk $0xffff, v0  }
0xec: {  	[tilespmem:s13+$0x80] =	vst.add.f32.msk $0xffff, v0  }
0xed: {  	s21 =	simm.s32 $0x10;
	[tilespmem:s13+$0x100] =	vst.add.f32.msk $0xffff, v0  }
.LBB2_3:
0xee: {  	v1 =	vld [tilespmem:s21+$0x0]  }
0xef: {  	s7 =	sadd.s32 $0x80, s7;
	[tilespmem:s13+$0x180] =	vst.add.f32.msk $0xffff, v0  }
0xf0: {  	s19 =	sadd.s32 $0x10, s19;
	s23 =	sand.u32 $0x3C00, s7;
	[tilespmem:s13+$0x200] =	vst.add.f32.msk $0xffff, v0  }
0xf1: {  	s25 =	sand.u32 $0x70, s19;
	p0 =	slt.u32 s19, $0x7F0;
	s23 =	sadd.s32 s23, s4;
	[tilespmem:s13+$0x280] =	vst.add.f32.msk $0xffff, v0  }
.Ltmp0:
0xf2: {  	[tilespmem:s13+$0x300] =	vst.add.f32.msk $0xffff, v0;
	s13 =	sadd.s32 s25, s23;
	(pc) =	sbr.rel @p0 .LBB2_3-.Ltmp0, $4  }
0xf3: {  	[tilespmem:s13+$0x380] =	vst.add.f32.msk $0xffff, v1;
	v0 =	vmov v1  }
0xf4: {  	[tilespmem:s13+$0x0] =	vst.add.f32.msk $0xffff, v0  }
0xf5: {  	[tilespmem:s13+$0x80] =	vst.add.f32.msk $0xffff, v0  }
0xf6: {  	s21 =	sadd.s32 $0x10, s21;
	[tilespmem:s13+$0x100] =	vst.add.f32.msk $0xffff, v0  }
0xf7: {  	[tilespmem:s13+$0x180] =	vst.add.f32.msk $0xffff, v0;
	s7 =	sshll.u32 s31, $0x13  }
0xf8: {  	[tilespmem:s13+$0x200] =	vst.add.f32.msk $0xffff, v0;
	s7 =	sor.u32 s5, s7  }
0xf9: {  	[tilespmem:s13+$0x280] =	vst.add.f32.msk $0xffff, v0;
	s7 =	sshrl.u32 s7, $0x3  }
0xfa: {  	[tilespmem:s13+$0x300] =	vst.add.f32.msk $0xffff, v0;
	s0 =	sadd.s32 $0x8, s0;
	s7 =	sadd.s32 s3, s7  }
0xfb: {  	[hbm4b:s7+s14] =	stream.strided.scatter [tilespmem:s4], [sflag:s0], $0x400, s17, s14, $0x38;
	[tilespmem:$0x1C800] =	vst v63  }
0xfc: {  	s23 =	sadd.s32 $0xC00, s2;
	s25 =	sadd.s32 $0x80, s7  }
0xfd: {  	[hbm4b:s25+s14] =	stream.strided.scatter [tilespmem:s23], [sflag:s0], $0x400, s17, s14, $0x38;
	[tilespmem:$0x1C800] =	vst v63  }
0xfe: {  	s19 =	sadd.s32 $0x1000, s2;
	s21 =	sadd.s32 $0x100, s7  }
0xff: {  	[hbm4b:s21+s14] =	stream.strided.scatter [tilespmem:s19], [sflag:s0], $0x400, s17, s14, $0x38;
	[tilespmem:$0x1C800] =	vst v63  }
0x100: {  	s23 =	sadd.s32 $0x1400, s2;
	s25 =	sadd.s32 $0x180, s7  }
0x101: {  	[hbm4b:s25+s14] =	stream.strided.scatter [tilespmem:s23], [sflag:s0], $0x400, s17, s14, $0x38;
	[tilespmem:$0x1C800] =	vst v63  }
0x102: {  	s19 =	sadd.s32 $0x1800, s2;
	s21 =	sadd.s32 $0x200, s7  }
0x103: {  	[hbm4b:s21+s14] =	stream.strided.scatter [tilespmem:s19], [sflag:s0], $0x400, s17, s14, $0x38;
	[tilespmem:$0x1C800] =	vst v63  }
0x104: {  	s23 =	sadd.s32 $0x1C00, s2;
	s25 =	sadd.s32 $0x280, s7  }
0x105: {  	[hbm4b:s25+s14] =	stream.strided.scatter [tilespmem:s23], [sflag:s0], $0x400, s17, s14, $0x38;
	[tilespmem:$0x1C800] =	vst v63  }
0x106: {  	s19 =	sadd.s32 $0x2000, s2;
	s21 =	sadd.s32 $0x300, s7  }
0x107: {  	[hbm4b:s21+s14] =	stream.strided.scatter [tilespmem:s19], [sflag:s0], $0x400, s17, s14, $0x38;
	[tilespmem:$0x1C800] =	vst v63  }
0x108: {  	s23 =	sadd.s32 $0x2400, s2;
	s25 =	sadd.s32 $0x380, s7  }
0x109: {  	[hbm4b:s25+s14] =	stream.strided.scatter [tilespmem:s23], [sflag:s0], $0x400, s17, s14, $0x38;
	[tilespmem:$0x1C800] =	vst v63  }
0x10a: {  	s19 =	sadd.s32 $0x2800, s2;
	s21 =	sadd.s32 $0x400, s7  }
0x10b: {  	[hbm4b:s21+s14] =	stream.strided.scatter [tilespmem:s19], [sflag:s0], $0x400, s17, s14, $0x38;
	[tilespmem:$0x1C800] =	vst v63  }
0x10c: {  	s23 =	sadd.s32 $0x2C00, s2;
	s25 =	sadd.s32 $0x480, s7  }
0x10d: {  	[hbm4b:s25+s14] =	stream.strided.scatter [tilespmem:s23], [sflag:s0], $0x400, s17, s14, $0x38;
	[tilespmem:$0x1C800] =	vst v63  }
0x10e: {  	s19 =	sadd.s32 $0x3000, s2;
	s21 =	sadd.s32 $0x500, s7  }
0x10f: {  	[hbm4b:s21+s14] =	stream.strided.scatter [tilespmem:s19], [sflag:s0], $0x400, s17, s14, $0x38;
	[tilespmem:$0x1C800] =	vst v63  }
0x110: {  	s23 =	sadd.s32 $0x3400, s2;
	s25 =	sadd.s32 $0x580, s7  }
0x111: {  	[hbm4b:s25+s14] =	stream.strided.scatter [tilespmem:s23], [sflag:s0], $0x400, s17, s14, $0x38;
	[tilespmem:$0x1C800] =	vst v63  }
0x112: {  	s19 =	sadd.s32 $0x3800, s2;
	s21 =	sadd.s32 $0x600, s7  }
0x113: {  	[hbm4b:s21+s14] =	stream.strided.scatter [tilespmem:s19], [sflag:s0], $0x400, s17, s14, $0x38;
	[tilespmem:$0x1C800] =	vst v63  }
0x114: {  	s4 =	sadd.s32 $0x6, s31;
	s23 =	sadd.s32 $0x3C00, s2;
	s25 =	sadd.s32 $0x680, s7  }
0x115: {  	[hbm4b:s25+s14] =	stream.strided.scatter [tilespmem:s23], [sflag:s0], $0x400, s17, s14, $0x38;
	[tilespmem:$0x1C800] =	vst v63  }
0x116: {  	s13 =	sadd.s32 $0x4000, s2;
	s19 =	sadd.s32 $0x700, s7;
	s23 =	smulhi.u32 $0x24924925, s4  }
0x117: {  	[hbm4b:s19+s14] =	stream.strided.scatter [tilespmem:s13], [sflag:s0], $0x400, s17, s14, $0x38;
	[tilespmem:$0x1C800] =	vst v63  }
0x118: {  	s21 =	sadd.s32 $0x4400, s2;
	s7 =	sadd.s32 $0x780, s7;
	s25 =	ssub.s32 s4, s23  }
0x119: {  	[hbm4b:s7+s14] =	stream.strided.scatter [tilespmem:s21], [sflag:s0], $0x400, s17, s14, $0x38;
	[tilespmem:$0x1C800] =	vst v63  }
0x11a: {  	s0 =	sshrl.u32 s25, $0x1  }
0x11b: {  	s0 =	sadd.s32 s23, s0  }
0x11c: {  	s0 =	sshrl.u32 s0, $0x2  }
0x11d: {  	p0 =	sgt.u32 s31, $0x9;
	s0 =	smul.u32 $0x7, s0  }
0x11e: {  	p1 =	seq.s32 @!p0 s31, $0x0  }
0x11f: {  	p1 =	por p1, p0;
	s0 =	ssub.s32 s4, s0  }
0x120: {  	s13 =	simm.s32 @!p0 $0x80;
	s2 =	sadd.s32 @!p1 $0x8, s0  }
0x121: {  	s19 =	simm.s32 @!p0 $0x10000;
	s4 =	sshll.u32 @!p0 s4, $0x13;
	_ =	swait.ge @!p1 [sflag:s2], $0x4000  }
0x122: {  	s7 =	sshll.u32 @!p0 s0, $0xE;
	s4 =	sor.u32 @!p0 s5, s4;
	[sflag:s2] =	ssyncset.done @!p1 $0x0  }
0x123: {  	s4 =	sshrl.u32 @!p0 s4, $0x3;
	[sflag:s2] =	ssyncadd.s32 @!p1 $0xFFFFC000;
	s2 =	sand.u32 @!p0 $0x3FFFC000, s7  }
0x124: {  	s0 =	sadd.s32 @!p0 $0x1, s0;
	s4 =	sadd.s32 @!p0 s1, s4;
	s7 =	sor.u32 @!p0 $0x800, s2  }
0x125: {  	[tilespmem:s7], [sflag:s0] =	stream.strided.gather @!p0 [hbm4b:s4+s13], $0x400, s19, s13, $0x38;
	[tilespmem:$0x1C800] =	vst v63  }
0x126: {  	s21 =	sor.u32 @!p0 $0xC00, s2;
	s7 =	sadd.s32 @!p0 $0x80, s4  }
0x127: {  	[tilespmem:s21], [sflag:s0] =	stream.strided.gather @!p0 [hbm4b:s7+s13], $0x400, s19, s13, $0x38;
	[tilespmem:$0x1C800] =	vst v63  }
0x128: {  	s7 =	sadd.s32 @!p0 $0x100, s4;
	s21 =	sor.u32 @!p0 $0x1000, s2  }
0x129: {  	[tilespmem:s21], [sflag:s0] =	stream.strided.gather @!p0 [hbm4b:s7+s13], $0x400, s19, s13, $0x38;
	[tilespmem:$0x1C800] =	vst v63  }
0x12a: {  	s7 =	sadd.s32 @!p0 $0x180, s4;
	s21 =	sor.u32 @!p0 $0x1400, s2  }
0x12b: {  	[tilespmem:s21], [sflag:s0] =	stream.strided.gather @!p0 [hbm4b:s7+s13], $0x400, s19, s13, $0x38;
	[tilespmem:$0x1C800] =	vst v63  }
0x12c: {  	s7 =	sadd.s32 @!p0 $0x200, s4;
	s21 =	sor.u32 @!p0 $0x1800, s2  }
0x12d: {  	[tilespmem:s21], [sflag:s0] =	stream.strided.gather @!p0 [hbm4b:s7+s13], $0x400, s19, s13, $0x38;
	[tilespmem:$0x1C800] =	vst v63  }
0x12e: {  	s7 =	sadd.s32 @!p0 $0x280, s4;
	s21 =	sor.u32 @!p0 $0x1C00, s2  }
0x12f: {  	[tilespmem:s21], [sflag:s0] =	stream.strided.gather @!p0 [hbm4b:s7+s13], $0x400, s19, s13, $0x38;
	[tilespmem:$0x1C800] =	vst v63  }
0x130: {  	s7 =	sadd.s32 @!p0 $0x300, s4;
	s21 =	sor.u32 @!p0 $0x2000, s2  }
0x131: {  	[tilespmem:s21], [sflag:s0] =	stream.strided.gather @!p0 [hbm4b:s7+s13], $0x400, s19, s13, $0x38;
	[tilespmem:$0x1C800] =	vst v63  }
0x132: {  	s7 =	sadd.s32 @!p0 $0x380, s4;
	s21 =	sor.u32 @!p0 $0x2400, s2  }
0x133: {  	[tilespmem:s21], [sflag:s0] =	stream.strided.gather @!p0 [hbm4b:s7+s13], $0x400, s19, s13, $0x38;
	[tilespmem:$0x1C800] =	vst v63  }
0x134: {  	s7 =	sadd.s32 @!p0 $0x400, s4;
	s21 =	sor.u32 @!p0 $0x2800, s2  }
0x135: {  	[tilespmem:s21], [sflag:s0] =	stream.strided.gather @!p0 [hbm4b:s7+s13], $0x400, s19, s13, $0x38;
	[tilespmem:$0x1C800] =	vst v63  }
0x136: {  	s7 =	sadd.s32 @!p0 $0x480, s4;
	s21 =	sor.u32 @!p0 $0x2C00, s2  }
0x137: {  	[tilespmem:s21], [sflag:s0] =	stream.strided.gather @!p0 [hbm4b:s7+s13], $0x400, s19, s13, $0x38;
	[tilespmem:$0x1C800] =	vst v63  }
0x138: {  	s7 =	sadd.s32 @!p0 $0x500, s4;
	s21 =	sor.u32 @!p0 $0x3000, s2  }
0x139: {  	[tilespmem:s21], [sflag:s0] =	stream.strided.gather @!p0 [hbm4b:s7+s13], $0x400, s19, s13, $0x38;
	[tilespmem:$0x1C800] =	vst v63  }
0x13a: {  	s7 =	sadd.s32 @!p0 $0x580, s4;
	s21 =	sor.u32 @!p0 $0x3400, s2  }
0x13b: {  	[tilespmem:s21], [sflag:s0] =	stream.strided.gather @!p0 [hbm4b:s7+s13], $0x400, s19, s13, $0x38;
	[tilespmem:$0x1C800] =	vst v63  }
0x13c: {  	s7 =	sadd.s32 @!p0 $0x600, s4;
	s21 =	sor.u32 @!p0 $0x3800, s2  }
0x13d: {  	[tilespmem:s21], [sflag:s0] =	stream.strided.gather @!p0 [hbm4b:s7+s13], $0x400, s19, s13, $0x38;
	[tilespmem:$0x1C800] =	vst v63  }
0x13e: {  	s7 =	sadd.s32 @!p0 $0x680, s4;
	s21 =	sor.u32 @!p0 $0x3C00, s2  }
0x13f: {  	[tilespmem:s21], [sflag:s0] =	stream.strided.gather @!p0 [hbm4b:s7+s13], $0x400, s19, s13, $0x38;
	[tilespmem:$0x1C800] =	vst v63  }
0x140: {  	s7 =	sadd.s32 @!p0 $0x700, s4;
	s21 =	sadd.s32 @!p0 $0x4000, s2  }
0x141: {  	[tilespmem:s21], [sflag:s0] =	stream.strided.gather @!p0 [hbm4b:s7+s13], $0x400, s19, s13, $0x38;
	[tilespmem:$0x1C800] =	vst v63  }
0x142: {  	s31 =	sadd.s32 $0x1, s31;
	s4 =	sadd.s32 @!p0 $0x780, s4;
	s2 =	sadd.s32 @!p0 $0x4400, s2  }
0x143: {  	[tilespmem:s2], [sflag:s0] =	stream.strided.gather @!p0 [hbm4b:s4+s13], $0x400, s19, s13, $0x38;
	[tilespmem:$0x1C800] =	vst v63  }
0x144: {  	p0 =	sne.s32 s31, $0x10  }
.Ltmp1:
0x145: {  	_ = 	snop;
	(pc) =	sbr.rel @p0 .LBB2_2-.Ltmp1, $1  }
0x146: {  	_ =	sdelay $0x3  }
0x147: {  	_ =	swait.ge [sflag:s15], $0x4000  }
0x148: {  	[sflag:s15] =	ssyncset.done $0x0  }
0x149: {  	[sflag:s15] =	ssyncadd.s32 $0xFFFFC000  }
0x14a: {  	_ =	swait.ge [sflag:s18], $0x4000  }
0x14b: {  	[sflag:s18] =	ssyncset.done $0x0  }
0x14c: {  	[sflag:s18] =	ssyncadd.s32 $0xFFFFC000  }
0x14d: {  	_ =	swait.ge [sflag:s20], $0x4000  }
0x14e: {  	[sflag:s20] =	ssyncset.done $0x0  }
0x14f: {  	[sflag:s20] =	ssyncadd.s32 $0xFFFFC000  }
0x150: {  	_ =	swait.ge [sflag:s22], $0x4000  }
0x151: {  	[sflag:s22] =	ssyncset.done $0x0  }
0x152: {  	[sflag:s22] =	ssyncadd.s32 $0xFFFFC000  }
0x153: {  	_ =	swait.ge [sflag:s24], $0x4000  }
0x154: {  	[sflag:s24] =	ssyncset.done $0x0  }
0x155: {  	[sflag:s24] =	ssyncadd.s32 $0xFFFFC000  }
0x156: {  	_ =	swait.ge [sflag:s26], $0x4000  }
0x157: {  	[sflag:s26] =	ssyncset.done $0x0  }
0x158: {  	[sflag:s26] =	ssyncadd.s32 $0xFFFFC000  }
0x159: {  	_ =	swait.ge [sflag:s29], $0x4000  }
0x15a: {  	s30 =	sadd.s32 $0x1, s30;
	s0 =	rddreg [dreg:$0x5]  }
0x15b: {  	p0 =	sne.s32 s30, s0  }
.Ltmp2:
0x15c: {  	_ = 	snop;
	(pc) =	sbr.rel @p0 .LBB2_1-.Ltmp2, $3  }
0x15d: {  	_ =	sdelay $0x1  }
0x15e: {  	[sflag:s29] =	ssyncset.done $0x0  }
0x15f: {  	[sflag:s29] =	ssyncadd.s32 $0xFFFFC000  }
0x160: {  	_ =	sfence.sel $0x180000  }
0x161: {  	[bflag:$0x0] =	sbarrier.arrive $0xFFFF  }
0x162: {  	_ =	strace $0x90000047  }
0x163: {  	s0 =	stileid.u32;
	[bflag:$0x2] =	sbarrier.arrive $0xFFFF  }
0x164: {  	p0 =	sne.s32 s0, $0x0;
	s0 =	rddreg [dreg:$0x3]  }
0x165: {  	s0 =	sadd.s32 @!p0 $0x100000, s0  }
0x166: {  	[sflag:s0] =	ssyncadd.tile.s32 @!p0 $0x1;
	_ =	shalt  }
.Lfunc_end2:
_tile_overlayer_lowered:
.L_overlay_start_2:
0x167: {  	(tag) =	ssettag $0x2  }
0x168: {  	s0 =	rddreg [dreg:$0x0];
	s2 =	stileid.u32  }
0x169: {  	s1 =	rddreg [dreg:$0x1];
	p0 =	sne.s32 s2, $0x0  }
0x16a: {  	s3 =	rddreg [dreg:$0x2];
	[bflag:$0x3] =	sbarrier.arrive $0xFFFF;
	s2 =	simm.s32 @!p0 $0x1C0F  }
0x16b: {  	[timem:s3], [sflag:s2] =	dma.local @!p0 [hbm:s0], s1  }
0x16c: {  	s0 =	simm.s32 @!p0 $0xF  }
0x16d: {  	_ =	swait.ge @!p0 [sflag:s0], s1  }
0x16e: {  	s1 =	ssub.s32 @!p0 $0x0, s1;
	[sflag:s0] =	ssyncset.done @!p0 $0x0  }
0x16f: {  	[sflag:s0] =	ssyncadd.s32 @!p0 s1  }
0x170: {  	[bflag:$0x3] =	sbarrier.arrive $0xFFFF  }
0x171: {  	_ =	shalt  }

</sc_bundles>
